<compile_context>
chip_gen: v7x
topology: tpu7x:2x2x1
jax: 0.10.2.dev20260603
libtpu: 0.0.44.dev20260713+nightly
codegen_flags: <defaults>
</compile_context>

<pallas_src>
import functools

import jax
import jax.numpy as jnp
from jax import lax
from jax.experimental import pallas as pl
from jax.experimental.pallas import tpu as pltpu
from jax.experimental.pallas import tpu_sc as plsc

NC = 2
NS = 16
NW = NC * NS
WIN = 64
NBUF = 4
CHW = 16
ROW_BLK = 2000


def _msg_body(x_ref, wg_ref, we_ref, o_ref):
    x = x_ref[...]
    g = jnp.dot(x, wg_ref[...], preferred_element_type=jnp.float32)
    e = jnp.dot(x, we_ref[...], preferred_element_type=jnp.float32)
    o_ref[...] = jax.nn.sigmoid(g) * e


def _messages(x, wg_t, we_t):
    n, d = x.shape
    return pl.pallas_call(
        _msg_body,
        grid=(n // ROW_BLK,),
        in_specs=[
            pl.BlockSpec((ROW_BLK, d), lambda i: (i, 0)),
            pl.BlockSpec((d, d), lambda i: (0, 0)),
            pl.BlockSpec((d, d), lambda i: (0, 0)),
        ],
        out_specs=pl.BlockSpec((ROW_BLK, d), lambda i: (i, 0)),
        out_shape=jax.ShapeDtypeStruct((n, d), jnp.float32),
    )(x, wg_t, we_t)


def _combine_body(x_ref, p_ref, o_ref):
    o_ref[...] = x_ref[...] + p_ref[0] + p_ref[1]


def _combine(x, p):
    n, d = x.shape
    return pl.pallas_call(
        _combine_body,
        grid=(n // ROW_BLK,),
        in_specs=[
            pl.BlockSpec((ROW_BLK, d), lambda i: (i, 0)),
            pl.BlockSpec((2, ROW_BLK, d), lambda i: (0, i, 0)),
        ],
        out_specs=pl.BlockSpec((ROW_BLK, d), lambda i: (i, 0)),
        out_shape=jax.ShapeDtypeStruct((n, d), jnp.float32),
    )(x, p)


def _sc_partials(msg, src3, tgt3, n_nodes, acc_rows):
    kwin = src3.shape[1]
    d = msg.shape[1]
    rows_per = acc_rows // NS
    zch = acc_rows // NS // WIN
    mesh = plsc.VectorSubcoreMesh(core_axis_name="c", subcore_axis_name="s")

    @functools.partial(
        pl.kernel,
        mesh=mesh,
        out_type=jax.ShapeDtypeStruct((NC, acc_rows, d), jnp.float32),
        scratch_types=[
            pltpu.VMEM((2, CHW, WIN), jnp.int32),
            pltpu.VMEM((2, CHW, WIN), jnp.int32),
            pltpu.VMEM((NBUF, WIN, d), jnp.float32),
            pltpu.VMEM_SHARED((acc_rows, d), jnp.float32),
            pltpu.SemaphoreType.DMA,
            pltpu.SemaphoreType.DMA,
            pltpu.SemaphoreType.DMA,
            pltpu.SemaphoreType.DMA,
            pltpu.SemaphoreType.DMA,
            pltpu.SemaphoreType.DMA,
            pltpu.SemaphoreType.DMA,
            pltpu.SemaphoreType.DMA,
            pltpu.SemaphoreType.DMA,
        ],
    )
    def k_fn(msg_hbm, src_hbm, tgt_hbm, out_hbm, src_v, tgt_v, bufs, acc,
             sem0, sem1, sem2, sem3, ssem0, ssem1, ssem2, ssem3, isem):
        cid = lax.axis_index("c")
        sid = lax.axis_index("s")
        wid = cid * NS + sid
        sems = (sem0, sem1, sem2, sem3)
        ssems = (ssem0, ssem1, ssem2, ssem3)
        buf0 = bufs.at[0]

        with jax.named_scope("zero_fill"):
            @pl.loop(0, WIN)
            def _(i):
                @pl.loop(0, d, step=16)
                def _(jj):
                    bufs[0, i, pl.ds(jj, 16)] = jnp.zeros((16,), jnp.float32)

            zbase = sid * (acc_rows // NS)

            @pl.loop(0, zch)
            def _(i):
                pltpu.sync_copy(buf0, acc.at[pl.ds(zbase + i * WIN, WIN)])

            plsc.subcore_barrier()

        my_src = src_hbm.at[wid]
        my_tgt = tgt_hbm.at[wid]
        with jax.named_scope("idx_stage0"):
            pltpu.sync_copy(my_src.at[pl.ds(0, CHW)], src_v.at[0])
            pltpu.sync_copy(my_tgt.at[pl.ds(0, CHW)], tgt_v.at[0])

        nch = kwin // CHW

        with jax.named_scope("gather_scatter"):
            for w0 in range(3):
                pltpu.async_copy(
                    msg_hbm.at[tgt_v.at[0].at[w0]], bufs.at[w0], sems[w0]
                )

            @pl.loop(0, kwin, step=NBUF)
            def _(j):
                for b in range(NBUF):
                    w = j + b
                    cw = w // CHW
                    par = cw % 2

                    pltpu.make_async_copy(
                        msg_hbm.at[tgt_v.at[0].at[0]], bufs.at[b], sems[b]
                    ).wait()

                    bp = (b + 3) % NBUF

                    @pl.when(w >= 1)
                    def _():
                        pltpu.make_async_copy(
                            bufs.at[bp], acc.at[src_v.at[0].at[0]], ssems[bp]
                        ).wait()

                    pltpu.async_copy(
                        bufs.at[b], acc.at[src_v.at[par].at[w % CHW]],
                        ssems[b], add=True
                    )

                    @pl.when((w % CHW == 2) & (cw + 1 < nch))
                    def _():
                        pltpu.async_copy(
                            my_src.at[pl.ds((cw + 1) * CHW, CHW)],
                            src_v.at[1 - par], isem
                        )
                        pltpu.async_copy(
                            my_tgt.at[pl.ds((cw + 1) * CHW, CHW)],
                            tgt_v.at[1 - par], isem
                        )

                    @pl.when((w % CHW == CHW - 4) & (cw + 1 < nch))
                    def _():
                        pltpu.make_async_copy(
                            my_src.at[pl.ds(0, CHW)], src_v.at[1 - par], isem
                        ).wait()
                        pltpu.make_async_copy(
                            my_tgt.at[pl.ds(0, CHW)], tgt_v.at[1 - par], isem
                        ).wait()

                    bn = (b + 3) % NBUF

                    @pl.when(w + 3 < kwin)
                    def _():
                        t = w + 3
                        pt = (t // CHW) % 2
                        pltpu.async_copy(
                            msg_hbm.at[tgt_v.at[pt].at[t % CHW]],
                            bufs.at[bn], sems[bn]
                        )

            pltpu.make_async_copy(
                bufs.at[3], acc.at[src_v.at[0].at[0]], ssems[3]
            ).wait()

        plsc.subcore_barrier()

        with jax.named_scope("copy_out"):
            rbase = sid * rows_per
            pltpu.sync_copy(
                acc.at[pl.ds(rbase, rows_per)],
                out_hbm.at[cid].at[pl.ds(rbase, rows_per)],
            )

    return k_fn(msg, src3, tgt3)


def kernel(input, edge_sources, edge_targets, W):
    x = input
    n, d = x.shape
    dout = W.shape[0] // 2
    wg_t = W[:dout].T
    we_t = W[dout:].T
    msg = _messages(x, wg_t, we_t)

    e = edge_sources.shape[0]
    kwin = -(-e // (NW * WIN))
    kwin = -(-kwin // CHW) * CHW
    epad = NW * kwin * WIN
    acc_rows = -(-(n + WIN) // (NS * WIN)) * (NS * WIN)
    lanes = jax.lax.iota(jnp.int32, epad - e) % WIN
    src = jnp.concatenate([edge_sources.astype(jnp.int32), n + lanes])
    tgt = jnp.concatenate([edge_targets.astype(jnp.int32), lanes])
    partial = _sc_partials(
        msg,
        src.reshape(NW, kwin, WIN),
        tgt.reshape(NW, kwin, WIN),
        n,
        acc_rows,
    )
    return _combine(x, partial)

# --- scband reference (transcript-rebuilt; emitter-appended) ---
"""Pipeline reference for scband-gated-graph-convolution-1726576856964 (READ-ONLY COPY).

The authoritative reference and input builder live on the scoring server;
editing this copy changes nothing except your own understanding.
"""

import jax, jax.numpy as jnp
import numpy as np

N_NODES = 10000
N_EDGES = 320000
D_IN = 128
D_OUT = 128

def setup_inputs(seed: int = 0) -> dict:
    key = jax.random.key(seed)
    k1, k2, k3, k4 = jax.random.split(key, 4)
    x = jax.random.normal(k1, (N_NODES, D_IN), dtype=jnp.float32)
    edge_sources = jax.random.randint(k2, (N_EDGES,), 0, N_NODES)
    edge_targets = jax.random.randint(k3, (N_EDGES,), 0, N_NODES)
    # Linear(in_features, 2*out_features, bias=False): torch convention W [2*out, in]
    W = jax.random.normal(k4, (2 * D_OUT, D_IN), dtype=jnp.float32) * (1.0 / np.sqrt(D_IN))
    return {"input": x, "edge_sources": edge_sources, "edge_targets": edge_targets, "W": W}

def reference(input, edge_sources, edge_targets, W):
    # h = input[edge_targets] (gather on target nodes)
    h = jnp.take(input, edge_targets, axis=0)
    # edge_network is None -> e = h; linear_h is None -> e = linear(e), chunk into (g, e)
    e = h @ W.T
    g, e = jnp.split(e, 2, axis=1)
    # gate_activation = Sigmoid (no batch norm)
    g = jax.nn.sigmoid(g)
    # edge_activation is None, postconv_network is None:
    # output = input.clone(); output.index_add_(0, edge_sources, g * e)
    output = input.at[edge_sources].add(g * e)
    # node_activation is None
    return output

if __name__ == "__main__":
    import jax
    _d = setup_inputs()
    print(jax.jit(kernel)(*tuple(_d.values())))

</pallas_src>

<mosaic_0001>
#map = affine_map<(d0, d1) -> (0, 0)>
#map1 = affine_map<(d0, d1) -> (0, 0, 0)>
module attributes {stable_mosaic.version = 14 : i64} {
  func.func @k_fn(%arg0: i32, %arg1: i32, %arg2: memref<10000x128xf32, #tpu.memory_space<hbm>>, %arg3: memref<32x160x64xi32, #tpu.memory_space<hbm>>, %arg4: memref<32x160x64xi32, #tpu.memory_space<hbm>>, %arg5: memref<2x10240x128xf32, #tpu.memory_space<hbm>>, %arg6: memref<2x16x64xi32, #tpu.memory_space<vmem>>, %arg7: memref<2x16x64xi32, #tpu.memory_space<vmem>>, %arg8: memref<4x64x128xf32, #tpu.memory_space<vmem>>, %arg9: memref<10240x128xf32, #tpu.memory_space<vmem_shared>>, %arg10: memref<!tpu.dma_semaphore, #tpu.memory_space<semaphore_mem>>, %arg11: memref<!tpu.dma_semaphore, #tpu.memory_space<semaphore_mem>>, %arg12: memref<!tpu.dma_semaphore, #tpu.memory_space<semaphore_mem>>, %arg13: memref<!tpu.dma_semaphore, #tpu.memory_space<semaphore_mem>>, %arg14: memref<!tpu.dma_semaphore, #tpu.memory_space<semaphore_mem>>, %arg15: memref<!tpu.dma_semaphore, #tpu.memory_space<semaphore_mem>>, %arg16: memref<!tpu.dma_semaphore, #tpu.memory_space<semaphore_mem>>, %arg17: memref<!tpu.dma_semaphore, #tpu.memory_space<semaphore_mem>>, %arg18: memref<!tpu.dma_semaphore, #tpu.memory_space<semaphore_mem>>) attributes {dimension_semantics = [#tpu.dimension_semantics<core_parallel>, #tpu.dimension_semantics<subcore_parallel>], iteration_bounds = array<i64: 2, 16>, scalar_prefetch = 0 : i64, scratch_operands = 13 : i64, tpu.core_type = #tpu.core_type<sc_vector_subcore>, window_params = [{transform_indices = #map}, {transform_indices = #map1}, {transform_indices = #map1}, {transform_indices = #map1}]} {
    %mul3A = arith.constant 16 : i32
    %mul3A_0 = arith.muli %arg0, %mul3A : i32
    %add3A = arith.addi %mul3A_0, %arg1 : i32
    "tpu.trace_start"() <{level = 10 : i32, message = "zero_fill"}> : () -> ()
    %scan3A = arith.constant 0 : i32
    %scan3A_1 = arith.constant 64 : i32
    %scan3A_2 = arith.addi %scan3A, %scan3A_1 : i32
    %scan3A_3 = arith.constant 1 : i32
    scf.for %scan3A_88 = %scan3A to %scan3A_2 step %scan3A_3  : i32 {
      %mul3A_89 = arith.constant 1 : i32
      %mul3A_90 = arith.muli %scan3A_88, %mul3A_89 : i32
      %add3A_91 = arith.constant 0 : i32
      %add3A_92 = arith.addi %add3A_91, %mul3A_90 : i32
      %scan3A_93 = arith.constant 0 : i32
      %scan3A_94 = arith.constant 8 : i32
      %scan3A_95 = arith.addi %scan3A_93, %scan3A_94 : i32
      %scan3A_96 = arith.constant 1 : i32
      scf.for %scan3A_98 = %scan3A_93 to %scan3A_95 step %scan3A_96  : i32 {
        %mul3A_99 = arith.constant 16 : i32
        %mul3A_100 = arith.muli %scan3A_98, %mul3A_99 : i32
        %add3A_101 = arith.constant 0 : i32
        %add3A_102 = arith.addi %add3A_101, %mul3A_100 : i32
        %broadcast_in_dim3A = arith.constant 0.000000e+00 : f32
        %broadcast_in_dim3A_103 = vector.broadcast %broadcast_in_dim3A : f32 to vector<16xf32>
        %swap3A = arith.constant 0 : i32
        %swap3A_104 = arith.index_cast %swap3A : i32 to index
        %swap3A_105 = arith.index_cast %add3A_92 : i32 to index
        %swap3A_106 = arith.index_cast %add3A_102 : i32 to index
        %swap3A_107 = tpu.vector_load %arg8[%swap3A_104, %swap3A_105, %swap3A_106] {strides = array<i32>} : memref<4x64x128xf32, #tpu.memory_space<vmem>>, vector<1x1x16xf32>,
        %swap3A_108 = vector.shape_cast %swap3A_107 : vector<1x1x16xf32> to vector<16xf32>
        %swap3A_109 = vector.shape_cast %broadcast_in_dim3A_103 : vector<16xf32> to vector<1x1x16xf32>
        tpu.vector_store %arg8[%swap3A_104, %swap3A_105, %swap3A_106], %swap3A_109 {strides = array<i32>} : memref<4x64x128xf32, #tpu.memory_space<vmem>>, vector<1x1x16xf32>,
      }
      %scan3A_97 = arith.constant 8 : i32
    }
    %scan3A_4 = arith.constant 64 : i32
    %mul3A_5 = arith.constant 640 : i32
    %mul3A_6 = arith.muli %arg1, %mul3A_5 : i32
    %scan3A_7 = arith.constant 0 : i32
    %scan3A_8 = arith.constant 0 : i32
    %scan3A_9 = arith.constant 10 : i32
    %scan3A_10 = arith.addi %scan3A_8, %scan3A_9 : i32
    %scan3A_11 = arith.constant 1 : i32
    scf.for %scan3A_88 = %scan3A_8 to %scan3A_10 step %scan3A_11  : i32 {
      %mul3A_89 = arith.constant 1 : i32
      %mul3A_90 = arith.muli %scan3A_88, %mul3A_89 : i32
      %add3A_91 = arith.constant 0 : i32
      %add3A_92 = arith.addi %add3A_91, %mul3A_90 : i32
      %mul3A_93 = arith.constant 64 : i32
      %mul3A_94 = arith.muli %add3A_92, %mul3A_93 : i32
      %add3A_95 = arith.addi %mul3A_6, %mul3A_94 : i32
      "tpu.region"() ({
        %run_scoped3A_96 = tpu.sem_alloc : memref<!tpu.dma_semaphore, #tpu.memory_space<semaphore_mem>>
        %dma_start3A_97 = arith.constant 0 : i32
        %dma_start3A_98 = arith.constant 0 : i32
        %dma_start3A_99 = tpu.memref_slice %arg8[%scan3A_7, %dma_start3A_97, %dma_start3A_98] : memref<4x64x128xf32, #tpu.memory_space<vmem>> -> memref<1x64x128xf32, #tpu.memory_space<vmem>>
        %dma_start3A_100 = tpu.memref_squeeze %dma_start3A_99 : memref<1x64x128xf32, #tpu.memory_space<vmem>> -> memref<64x128xf32, #tpu.memory_space<vmem>>
        %dma_start3A_101 = arith.constant 0 : i32
        %dma_start3A_102 = tpu.memref_slice %arg9[%add3A_95, %dma_start3A_101] : memref<10240x128xf32, #tpu.memory_space<vmem_shared>> -> memref<64x128xf32, #tpu.memory_space<vmem_shared>>
        %dma_start3A_103 = arith.constant 0 : i32
        %dma_start3A_104 = tpu.memref_slice %arg9[%add3A_95, %dma_start3A_103] : memref<10240x128xf32, #tpu.memory_space<vmem_shared>> -> memref<64x128xf32, #tpu.memory_space<vmem_shared>>
        %dma_start3A_105 = arith.constant 0 : i32
        %dma_start3A_106 = arith.constant 0 : i32
        %dma_start3A_107 = tpu.memref_slice %arg8[%scan3A_7, %dma_start3A_105, %dma_start3A_106] : memref<4x64x128xf32, #tpu.memory_space<vmem>> -> memref<1x64x128xf32, #tpu.memory_space<vmem>>
        %dma_start3A_108 = tpu.memref_squeeze %dma_start3A_107 : memref<1x64x128xf32, #tpu.memory_space<vmem>> -> memref<64x128xf32, #tpu.memory_space<vmem>>
        tpu.enqueue_dma source(%dma_start3A_108 : memref<64x128xf32, #tpu.memory_space<vmem>>) target(%dma_start3A_104 : memref<64x128xf32, #tpu.memory_space<vmem_shared>>) target_semaphore(%run_scoped3A_96 : memref<!tpu.dma_semaphore, #tpu.memory_space<semaphore_mem>>)
        %dma_wait3A_109 = arith.constant 0 : i32
        %dma_wait3A_110 = arith.constant 0 : i32
        %dma_wait3A_111 = tpu.memref_slice %arg8[%scan3A_7, %dma_wait3A_109, %dma_wait3A_110] : memref<4x64x128xf32, #tpu.memory_space<vmem>> -> memref<1x64x128xf32, #tpu.memory_space<vmem>>
        %dma_wait3A_112 = tpu.memref_squeeze %dma_wait3A_111 : memref<1x64x128xf32, #tpu.memory_space<vmem>> -> memref<64x128xf32, #tpu.memory_space<vmem>>
        %dma_wait3A_113 = arith.constant 0 : i32
        %dma_wait3A_114 = tpu.memref_slice %arg9[%add3A_95, %dma_wait3A_113] : memref<10240x128xf32, #tpu.memory_space<vmem_shared>> -> memref<64x128xf32, #tpu.memory_space<vmem_shared>>
        %dma_wait3A_115 = arith.constant 0 : i32
        %dma_wait3A_116 = tpu.memref_slice %arg9[%add3A_95, %dma_wait3A_115] : memref<10240x128xf32, #tpu.memory_space<vmem_shared>> -> memref<64x128xf32, #tpu.memory_space<vmem_shared>>
        %dma_wait3A_117 = arith.constant 0 : i32
        %dma_wait3A_118 = arith.constant 0 : i32
        %dma_wait3A_119 = tpu.memref_slice %arg8[%scan3A_7, %dma_wait3A_117, %dma_wait3A_118] : memref<4x64x128xf32, #tpu.memory_space<vmem>> -> memref<1x64x128xf32, #tpu.memory_space<vmem>>
        %dma_wait3A_120 = tpu.memref_squeeze %dma_wait3A_119 : memref<1x64x128xf32, #tpu.memory_space<vmem>> -> memref<64x128xf32, #tpu.memory_space<vmem>>
        tpu.wait_dma2 semaphore(%run_scoped3A_96 : memref<!tpu.dma_semaphore, #tpu.memory_space<semaphore_mem>>) src(%dma_wait3A_120 : memref<64x128xf32, #tpu.memory_space<vmem>>) dst(%dma_wait3A_116 : memref<64x128xf32, #tpu.memory_space<vmem_shared>>)
        tpu.yield
      }) : () -> ()
    }
    %scan3A_12 = arith.constant 10 : i32
    %barrier3A = arith.constant 0 : index
    tpu.barrier barrier_id(%barrier3A)
    %run_scoped3A = arith.constant 0 : i32
    "tpu.trace_stop"() : () -> ()
    "tpu.trace_start"() <{level = 10 : i32, message = "idx_stage0"}> : () -> ()
    "tpu.region"() ({
      %run_scoped3A_88 = tpu.sem_alloc : memref<!tpu.dma_semaphore, #tpu.memory_space<semaphore_mem>>
      %dma_start3A_89 = arith.constant 0 : i32
      %dma_start3A_90 = arith.constant 0 : i32
      %dma_start3A_91 = tpu.memref_slice %arg6[%run_scoped3A, %dma_start3A_89, %dma_start3A_90] : memref<2x16x64xi32, #tpu.memory_space<vmem>> -> memref<1x16x64xi32, #tpu.memory_space<vmem>>
      %dma_start3A_92 = tpu.memref_squeeze %dma_start3A_91 : memref<1x16x64xi32, #tpu.memory_space<vmem>> -> memref<16x64xi32, #tpu.memory_space<vmem>>
      %dma_start3A_93 = arith.constant 0 : i32
      %dma_start3A_94 = arith.constant 0 : i32
      %dma_start3A_95 = tpu.memref_slice %arg3[%add3A, %dma_start3A_93, %dma_start3A_94] : memref<32x160x64xi32, #tpu.memory_space<hbm>> -> memref<1x160x64xi32, #tpu.memory_space<hbm>>
      %dma_start3A_96 = tpu.memref_squeeze %dma_start3A_95 : memref<1x160x64xi32, #tpu.memory_space<hbm>> -> memref<160x64xi32, #tpu.memory_space<hbm>>
      %dma_start3A_97 = arith.constant 0 : i32
      %dma_start3A_98 = arith.constant 0 : i32
      %dma_start3A_99 = tpu.memref_slice %dma_start3A_96[%dma_start3A_97, %dma_start3A_98] : memref<160x64xi32, #tpu.memory_space<hbm>> -> memref<16x64xi32, #tpu.memory_space<hbm>>
      %dma_start3A_100 = arith.constant 0 : i32
      %dma_start3A_101 = arith.constant 0 : i32
      %dma_start3A_102 = tpu.memref_slice %arg6[%run_scoped3A, %dma_start3A_100, %dma_start3A_101] : memref<2x16x64xi32, #tpu.memory_space<vmem>> -> memref<1x16x64xi32, #tpu.memory_space<vmem>>
      %dma_start3A_103 = tpu.memref_squeeze %dma_start3A_102 : memref<1x16x64xi32, #tpu.memory_space<vmem>> -> memref<16x64xi32, #tpu.memory_space<vmem>>
      %dma_start3A_104 = arith.constant 0 : i32
      %dma_start3A_105 = arith.constant 0 : i32
      %dma_start3A_106 = tpu.memref_slice %arg3[%add3A, %dma_start3A_104, %dma_start3A_105] : memref<32x160x64xi32, #tpu.memory_space<hbm>> -> memref<1x160x64xi32, #tpu.memory_space<hbm>>
      %dma_start3A_107 = tpu.memref_squeeze %dma_start3A_106 : memref<1x160x64xi32, #tpu.memory_space<hbm>> -> memref<160x64xi32, #tpu.memory_space<hbm>>
      %dma_start3A_108 = arith.constant 0 : i32
      %dma_start3A_109 = arith.constant 0 : i32
      %dma_start3A_110 = tpu.memref_slice %dma_start3A_107[%dma_start3A_108, %dma_start3A_109] : memref<160x64xi32, #tpu.memory_space<hbm>> -> memref<16x64xi32, #tpu.memory_space<hbm>>
      tpu.enqueue_dma source(%dma_start3A_110 : memref<16x64xi32, #tpu.memory_space<hbm>>) target(%dma_start3A_103 : memref<16x64xi32, #tpu.memory_space<vmem>>) target_semaphore(%run_scoped3A_88 : memref<!tpu.dma_semaphore, #tpu.memory_space<semaphore_mem>>)
      %dma_wait3A_111 = arith.constant 0 : i32
      %dma_wait3A_112 = arith.constant 0 : i32
      %dma_wait3A_113 = tpu.memref_slice %arg6[%run_scoped3A, %dma_wait3A_111, %dma_wait3A_112] : memref<2x16x64xi32, #tpu.memory_space<vmem>> -> memref<1x16x64xi32, #tpu.memory_space<vmem>>
      %dma_wait3A_114 = tpu.memref_squeeze %dma_wait3A_113 : memref<1x16x64xi32, #tpu.memory_space<vmem>> -> memref<16x64xi32, #tpu.memory_space<vmem>>
      %dma_wait3A_115 = arith.constant 0 : i32
      %dma_wait3A_116 = arith.constant 0 : i32
      %dma_wait3A_117 = tpu.memref_slice %arg3[%add3A, %dma_wait3A_115, %dma_wait3A_116] : memref<32x160x64xi32, #tpu.memory_space<hbm>> -> memref<1x160x64xi32, #tpu.memory_space<hbm>>
      %dma_wait3A_118 = tpu.memref_squeeze %dma_wait3A_117 : memref<1x160x64xi32, #tpu.memory_space<hbm>> -> memref<160x64xi32, #tpu.memory_space<hbm>>
      %dma_wait3A_119 = arith.constant 0 : i32
      %dma_wait3A_120 = arith.constant 0 : i32
      %dma_wait3A_121 = tpu.memref_slice %dma_wait3A_118[%dma_wait3A_119, %dma_wait3A_120] : memref<160x64xi32, #tpu.memory_space<hbm>> -> memref<16x64xi32, #tpu.memory_space<hbm>>
      %dma_wait3A_122 = arith.constant 0 : i32
      %dma_wait3A_123 = arith.constant 0 : i32
      %dma_wait3A_124 = tpu.memref_slice %arg6[%run_scoped3A, %dma_wait3A_122, %dma_wait3A_123] : memref<2x16x64xi32, #tpu.memory_space<vmem>> -> memref<1x16x64xi32, #tpu.memory_space<vmem>>
      %dma_wait3A_125 = tpu.memref_squeeze %dma_wait3A_124 : memref<1x16x64xi32, #tpu.memory_space<vmem>> -> memref<16x64xi32, #tpu.memory_space<vmem>>
      %dma_wait3A_126 = arith.constant 0 : i32
      %dma_wait3A_127 = arith.constant 0 : i32
      %dma_wait3A_128 = tpu.memref_slice %arg3[%add3A, %dma_wait3A_126, %dma_wait3A_127] : memref<32x160x64xi32, #tpu.memory_space<hbm>> -> memref<1x160x64xi32, #tpu.memory_space<hbm>>
      %dma_wait3A_129 = tpu.memref_squeeze %dma_wait3A_128 : memref<1x160x64xi32, #tpu.memory_space<hbm>> -> memref<160x64xi32, #tpu.memory_space<hbm>>
      %dma_wait3A_130 = arith.constant 0 : i32
      %dma_wait3A_131 = arith.constant 0 : i32
      %dma_wait3A_132 = tpu.memref_slice %dma_wait3A_129[%dma_wait3A_130, %dma_wait3A_131] : memref<160x64xi32, #tpu.memory_space<hbm>> -> memref<16x64xi32, #tpu.memory_space<hbm>>
      tpu.wait_dma2 semaphore(%run_scoped3A_88 : memref<!tpu.dma_semaphore, #tpu.memory_space<semaphore_mem>>) src(%dma_wait3A_132 : memref<16x64xi32, #tpu.memory_space<hbm>>) dst(%dma_wait3A_125 : memref<16x64xi32, #tpu.memory_space<vmem>>)
      tpu.yield
    }) : () -> ()
    %run_scoped3A_13 = arith.constant 0 : i32
    "tpu.region"() ({
      %run_scoped3A_88 = tpu.sem_alloc : memref<!tpu.dma_semaphore, #tpu.memory_space<semaphore_mem>>
      %dma_start3A_89 = arith.constant 0 : i32
      %dma_start3A_90 = arith.constant 0 : i32
      %dma_start3A_91 = tpu.memref_slice %arg7[%run_scoped3A_13, %dma_start3A_89, %dma_start3A_90] : memref<2x16x64xi32, #tpu.memory_space<vmem>> -> memref<1x16x64xi32, #tpu.memory_space<vmem>>
      %dma_start3A_92 = tpu.memref_squeeze %dma_start3A_91 : memref<1x16x64xi32, #tpu.memory_space<vmem>> -> memref<16x64xi32, #tpu.memory_space<vmem>>
      %dma_start3A_93 = arith.constant 0 : i32
      %dma_start3A_94 = arith.constant 0 : i32
      %dma_start3A_95 = tpu.memref_slice %arg4[%add3A, %dma_start3A_93, %dma_start3A_94] : memref<32x160x64xi32, #tpu.memory_space<hbm>> -> memref<1x160x64xi32, #tpu.memory_space<hbm>>
      %dma_start3A_96 = tpu.memref_squeeze %dma_start3A_95 : memref<1x160x64xi32, #tpu.memory_space<hbm>> -> memref<160x64xi32, #tpu.memory_space<hbm>>
      %dma_start3A_97 = arith.constant 0 : i32
      %dma_start3A_98 = arith.constant 0 : i32
      %dma_start3A_99 = tpu.memref_slice %dma_start3A_96[%dma_start3A_97, %dma_start3A_98] : memref<160x64xi32, #tpu.memory_space<hbm>> -> memref<16x64xi32, #tpu.memory_space<hbm>>
      %dma_start3A_100 = arith.constant 0 : i32
      %dma_start3A_101 = arith.constant 0 : i32
      %dma_start3A_102 = tpu.memref_slice %arg7[%run_scoped3A_13, %dma_start3A_100, %dma_start3A_101] : memref<2x16x64xi32, #tpu.memory_space<vmem>> -> memref<1x16x64xi32, #tpu.memory_space<vmem>>
      %dma_start3A_103 = tpu.memref_squeeze %dma_start3A_102 : memref<1x16x64xi32, #tpu.memory_space<vmem>> -> memref<16x64xi32, #tpu.memory_space<vmem>>
      %dma_start3A_104 = arith.constant 0 : i32
      %dma_start3A_105 = arith.constant 0 : i32
      %dma_start3A_106 = tpu.memref_slice %arg4[%add3A, %dma_start3A_104, %dma_start3A_105] : memref<32x160x64xi32, #tpu.memory_space<hbm>> -> memref<1x160x64xi32, #tpu.memory_space<hbm>>
      %dma_start3A_107 = tpu.memref_squeeze %dma_start3A_106 : memref<1x160x64xi32, #tpu.memory_space<hbm>> -> memref<160x64xi32, #tpu.memory_space<hbm>>
      %dma_start3A_108 = arith.constant 0 : i32
      %dma_start3A_109 = arith.constant 0 : i32
      %dma_start3A_110 = tpu.memref_slice %dma_start3A_107[%dma_start3A_108, %dma_start3A_109] : memref<160x64xi32, #tpu.memory_space<hbm>> -> memref<16x64xi32, #tpu.memory_space<hbm>>
      tpu.enqueue_dma source(%dma_start3A_110 : memref<16x64xi32, #tpu.memory_space<hbm>>) target(%dma_start3A_103 : memref<16x64xi32, #tpu.memory_space<vmem>>) target_semaphore(%run_scoped3A_88 : memref<!tpu.dma_semaphore, #tpu.memory_space<semaphore_mem>>)
      %dma_wait3A_111 = arith.constant 0 : i32
      %dma_wait3A_112 = arith.constant 0 : i32
      %dma_wait3A_113 = tpu.memref_slice %arg7[%run_scoped3A_13, %dma_wait3A_111, %dma_wait3A_112] : memref<2x16x64xi32, #tpu.memory_space<vmem>> -> memref<1x16x64xi32, #tpu.memory_space<vmem>>
      %dma_wait3A_114 = tpu.memref_squeeze %dma_wait3A_113 : memref<1x16x64xi32, #tpu.memory_space<vmem>> -> memref<16x64xi32, #tpu.memory_space<vmem>>
      %dma_wait3A_115 = arith.constant 0 : i32
      %dma_wait3A_116 = arith.constant 0 : i32
      %dma_wait3A_117 = tpu.memref_slice %arg4[%add3A, %dma_wait3A_115, %dma_wait3A_116] : memref<32x160x64xi32, #tpu.memory_space<hbm>> -> memref<1x160x64xi32, #tpu.memory_space<hbm>>
      %dma_wait3A_118 = tpu.memref_squeeze %dma_wait3A_117 : memref<1x160x64xi32, #tpu.memory_space<hbm>> -> memref<160x64xi32, #tpu.memory_space<hbm>>
      %dma_wait3A_119 = arith.constant 0 : i32
      %dma_wait3A_120 = arith.constant 0 : i32
      %dma_wait3A_121 = tpu.memref_slice %dma_wait3A_118[%dma_wait3A_119, %dma_wait3A_120] : memref<160x64xi32, #tpu.memory_space<hbm>> -> memref<16x64xi32, #tpu.memory_space<hbm>>
      %dma_wait3A_122 = arith.constant 0 : i32
      %dma_wait3A_123 = arith.constant 0 : i32
      %dma_wait3A_124 = tpu.memref_slice %arg7[%run_scoped3A_13, %dma_wait3A_122, %dma_wait3A_123] : memref<2x16x64xi32, #tpu.memory_space<vmem>> -> memref<1x16x64xi32, #tpu.memory_space<vmem>>
      %dma_wait3A_125 = tpu.memref_squeeze %dma_wait3A_124 : memref<1x16x64xi32, #tpu.memory_space<vmem>> -> memref<16x64xi32, #tpu.memory_space<vmem>>
      %dma_wait3A_126 = arith.constant 0 : i32
      %dma_wait3A_127 = arith.constant 0 : i32
      %dma_wait3A_128 = tpu.memref_slice %arg4[%add3A, %dma_wait3A_126, %dma_wait3A_127] : memref<32x160x64xi32, #tpu.memory_space<hbm>> -> memref<1x160x64xi32, #tpu.memory_space<hbm>>
      %dma_wait3A_129 = tpu.memref_squeeze %dma_wait3A_128 : memref<1x160x64xi32, #tpu.memory_space<hbm>> -> memref<160x64xi32, #tpu.memory_space<hbm>>
      %dma_wait3A_130 = arith.constant 0 : i32
      %dma_wait3A_131 = arith.constant 0 : i32
      %dma_wait3A_132 = tpu.memref_slice %dma_wait3A_129[%dma_wait3A_130, %dma_wait3A_131] : memref<160x64xi32, #tpu.memory_space<hbm>> -> memref<16x64xi32, #tpu.memory_space<hbm>>
      tpu.wait_dma2 semaphore(%run_scoped3A_88 : memref<!tpu.dma_semaphore, #tpu.memory_space<semaphore_mem>>) src(%dma_wait3A_132 : memref<16x64xi32, #tpu.memory_space<hbm>>) dst(%dma_wait3A_125 : memref<16x64xi32, #tpu.memory_space<vmem>>)
      tpu.yield
    }) : () -> ()
    %dma_start3A = arith.constant 0 : i32
    %dma_start3A_14 = arith.constant 0 : i32
    %dma_start3A_15 = arith.constant 0 : i32
    "tpu.trace_stop"() : () -> ()
    "tpu.trace_start"() <{level = 10 : i32, message = "gather_scatter"}> : () -> ()
    %dma_start3A_16 = arith.constant 0 : i32
    %dma_start3A_17 = arith.constant 0 : i32
    %dma_start3A_18 = tpu.memref_slice %arg8[%dma_start3A_15, %dma_start3A_16, %dma_start3A_17] : memref<4x64x128xf32, #tpu.memory_space<vmem>> -> memref<1x64x128xf32, #tpu.memory_space<vmem>>
    %dma_start3A_19 = tpu.memref_squeeze %dma_start3A_18 : memref<1x64x128xf32, #tpu.memory_space<vmem>> -> memref<64x128xf32, #tpu.memory_space<vmem>>
    %dma_start3A_20 = arith.constant 0 : i32
    %dma_start3A_21 = arith.constant 0 : i32
    %dma_start3A_22 = tpu.memref_slice %arg7[%dma_start3A, %dma_start3A_20, %dma_start3A_21] : memref<2x16x64xi32, #tpu.memory_space<vmem>> -> memref<1x16x64xi32, #tpu.memory_space<vmem>>
    %dma_start3A_23 = tpu.memref_squeeze %dma_start3A_22 : memref<1x16x64xi32, #tpu.memory_space<vmem>> -> memref<16x64xi32, #tpu.memory_space<vmem>>
    %dma_start3A_24 = arith.constant 0 : i32
    %dma_start3A_25 = tpu.memref_slice %dma_start3A_23[%dma_start3A_14, %dma_start3A_24] : memref<16x64xi32, #tpu.memory_space<vmem>> -> memref<1x64xi32, #tpu.memory_space<vmem>>
    %dma_start3A_26 = tpu.memref_squeeze %dma_start3A_25 : memref<1x64xi32, #tpu.memory_space<vmem>> -> memref<64xi32, #tpu.memory_space<vmem>>
    %dma_start3A_27 = arith.constant 0 : i32
    %dma_start3A_28 = arith.constant 0 : i32
    %dma_start3A_29 = tpu.memref_slice %arg2[%dma_start3A_27, %dma_start3A_28] : memref<10000x128xf32, #tpu.memory_space<hbm>> -> memref<10000x128xf32, #tpu.memory_space<hbm>>
    tpu.enqueue_indirect_dma source(%dma_start3A_29 : memref<10000x128xf32, #tpu.memory_space<hbm>>) target(%dma_start3A_19 : memref<64x128xf32, #tpu.memory_space<vmem>>) offsets(%dma_start3A_26 : memref<64xi32, #tpu.memory_space<vmem>>) semaphore(%arg10 : memref<!tpu.dma_semaphore, #tpu.memory_space<semaphore_mem>>)
    %dma_start3A_30 = arith.constant 0 : i32
    %dma_start3A_31 = arith.constant 1 : i32
    %dma_start3A_32 = arith.constant 1 : i32
    %dma_start3A_33 = arith.constant 0 : i32
    %dma_start3A_34 = arith.constant 0 : i32
    %dma_start3A_35 = tpu.memref_slice %arg8[%dma_start3A_32, %dma_start3A_33, %dma_start3A_34] : memref<4x64x128xf32, #tpu.memory_space<vmem>> -> memref<1x64x128xf32, #tpu.memory_space<vmem>>
    %dma_start3A_36 = tpu.memref_squeeze %dma_start3A_35 : memref<1x64x128xf32, #tpu.memory_space<vmem>> -> memref<64x128xf32, #tpu.memory_space<vmem>>
    %dma_start3A_37 = arith.constant 0 : i32
    %dma_start3A_38 = arith.constant 0 : i32
    %dma_start3A_39 = tpu.memref_slice %arg7[%dma_start3A_30, %dma_start3A_37, %dma_start3A_38] : memref<2x16x64xi32, #tpu.memory_space<vmem>> -> memref<1x16x64xi32, #tpu.memory_space<vmem>>
    %dma_start3A_40 = tpu.memref_squeeze %dma_start3A_39 : memref<1x16x64xi32, #tpu.memory_space<vmem>> -> memref<16x64xi32, #tpu.memory_space<vmem>>
    %dma_start3A_41 = arith.constant 0 : i32
    %dma_start3A_42 = tpu.memref_slice %dma_start3A_40[%dma_start3A_31, %dma_start3A_41] : memref<16x64xi32, #tpu.memory_space<vmem>> -> memref<1x64xi32, #tpu.memory_space<vmem>>
    %dma_start3A_43 = tpu.memref_squeeze %dma_start3A_42 : memref<1x64xi32, #tpu.memory_space<vmem>> -> memref<64xi32, #tpu.memory_space<vmem>>
    %dma_start3A_44 = arith.constant 0 : i32
    %dma_start3A_45 = arith.constant 0 : i32
    %dma_start3A_46 = tpu.memref_slice %arg2[%dma_start3A_44, %dma_start3A_45] : memref<10000x128xf32, #tpu.memory_space<hbm>> -> memref<10000x128xf32, #tpu.memory_space<hbm>>
    tpu.enqueue_indirect_dma source(%dma_start3A_46 : memref<10000x128xf32, #tpu.memory_space<hbm>>) target(%dma_start3A_36 : memref<64x128xf32, #tpu.memory_space<vmem>>) offsets(%dma_start3A_43 : memref<64xi32, #tpu.memory_space<vmem>>) semaphore(%arg11 : memref<!tpu.dma_semaphore, #tpu.memory_space<semaphore_mem>>)
    %dma_start3A_47 = arith.constant 0 : i32
    %dma_start3A_48 = arith.constant 2 : i32
    %dma_start3A_49 = arith.constant 2 : i32
    %dma_start3A_50 = arith.constant 0 : i32
    %dma_start3A_51 = arith.constant 0 : i32
    %dma_start3A_52 = tpu.memref_slice %arg8[%dma_start3A_49, %dma_start3A_50, %dma_start3A_51] : memref<4x64x128xf32, #tpu.memory_space<vmem>> -> memref<1x64x128xf32, #tpu.memory_space<vmem>>
    %dma_start3A_53 = tpu.memref_squeeze %dma_start3A_52 : memref<1x64x128xf32, #tpu.memory_space<vmem>> -> memref<64x128xf32, #tpu.memory_space<vmem>>
    %dma_start3A_54 = arith.constant 0 : i32
    %dma_start3A_55 = arith.constant 0 : i32
    %dma_start3A_56 = tpu.memref_slice %arg7[%dma_start3A_47, %dma_start3A_54, %dma_start3A_55] : memref<2x16x64xi32, #tpu.memory_space<vmem>> -> memref<1x16x64xi32, #tpu.memory_space<vmem>>
    %dma_start3A_57 = tpu.memref_squeeze %dma_start3A_56 : memref<1x16x64xi32, #tpu.memory_space<vmem>> -> memref<16x64xi32, #tpu.memory_space<vmem>>
    %dma_start3A_58 = arith.constant 0 : i32
    %dma_start3A_59 = tpu.memref_slice %dma_start3A_57[%dma_start3A_48, %dma_start3A_58] : memref<16x64xi32, #tpu.memory_space<vmem>> -> memref<1x64xi32, #tpu.memory_space<vmem>>
    %dma_start3A_60 = tpu.memref_squeeze %dma_start3A_59 : memref<1x64xi32, #tpu.memory_space<vmem>> -> memref<64xi32, #tpu.memory_space<vmem>>
    %dma_start3A_61 = arith.constant 0 : i32
    %dma_start3A_62 = arith.constant 0 : i32
    %dma_start3A_63 = tpu.memref_slice %arg2[%dma_start3A_61, %dma_start3A_62] : memref<10000x128xf32, #tpu.memory_space<hbm>> -> memref<10000x128xf32, #tpu.memory_space<hbm>>
    tpu.enqueue_indirect_dma source(%dma_start3A_63 : memref<10000x128xf32, #tpu.memory_space<hbm>>) target(%dma_start3A_53 : memref<64x128xf32, #tpu.memory_space<vmem>>) offsets(%dma_start3A_60 : memref<64xi32, #tpu.memory_space<vmem>>) semaphore(%arg12 : memref<!tpu.dma_semaphore, #tpu.memory_space<semaphore_mem>>)
    %scan3A_64 = arith.constant 0 : i32
    %scan3A_65 = arith.constant 40 : i32
    %scan3A_66 = arith.addi %scan3A_64, %scan3A_65 : i32
    %scan3A_67 = arith.constant 1 : i32
    scf.for %scan3A_88 = %scan3A_64 to %scan3A_66 step %scan3A_67  : i32 {
      %mul3A_89 = arith.constant 4 : i32
      %mul3A_90 = arith.muli %scan3A_88, %mul3A_89 : i32
      %add3A_91 = arith.constant 0 : i32
      %add3A_92 = arith.addi %add3A_91, %mul3A_90 : i32
      %add3A_93 = arith.constant 0 : i32
      %add3A_94 = arith.addi %add3A_92, %add3A_93 : i32
      %jit3A = arith.constant 16 : i32
      %div3A = arith.divsi %add3A_94, %jit3A : i32
      %sign3A = arith.constant 0 : i32
      %sign3A_95 = arith.cmpi sgt, %add3A_94, %sign3A : i32
      %sign3A_96 = arith.extui %sign3A_95 : i1 to i32
      %sign3A_97 = arith.constant 0 : i32
      %sign3A_98 = arith.cmpi slt, %add3A_94, %sign3A_97 : i32
      %sign3A_99 = arith.extui %sign3A_98 : i1 to i32
      %sign3A_100 = arith.subi %sign3A_96, %sign3A_99 : i32
      %sign3A_101 = arith.constant 0 : i32
      %sign3A_102 = arith.cmpi sgt, %jit3A, %sign3A_101 : i32
      %sign3A_103 = arith.extui %sign3A_102 : i1 to i32
      %sign3A_104 = arith.constant 0 : i32
      %sign3A_105 = arith.cmpi slt, %jit3A, %sign3A_104 : i32
      %sign3A_106 = arith.extui %sign3A_105 : i1 to i32
      %sign3A_107 = arith.subi %sign3A_103, %sign3A_106 : i32
      %ne3A = arith.cmpi ne, %sign3A_100, %sign3A_107 : i32
      %rem3A = arith.remsi %add3A_94, %jit3A : i32
      %ne3A_108 = arith.constant 0 : i32
      %ne3A_109 = arith.cmpi ne, %rem3A, %ne3A_108 : i32
      %and3A = arith.andi %ne3A, %ne3A_109 : i1
      %sub3A = arith.constant 1 : i32
      %sub3A_110 = arith.subi %div3A, %sub3A : i32
      %select_n3A = arith.select %and3A, %sub3A_110, %div3A : i32
      %jit3A_111 = arith.constant 2 : i32
      %eq3A = arith.constant 0 : i32
      %eq3A_112 = arith.cmpi eq, %jit3A_111, %eq3A : i32
      %jit3A_113 = arith.constant 1 : i32
      %select_n3A_114 = arith.select %eq3A_112, %jit3A_113, %jit3A_111 : i32
      %rem3A_115 = arith.remsi %select_n3A, %select_n3A_114 : i32
      %ne3A_116 = arith.constant 0 : i32
      %ne3A_117 = arith.cmpi ne, %rem3A_115, %ne3A_116 : i32
      %lt3A = arith.constant 0 : i32
      %lt3A_118 = arith.cmpi slt, %rem3A_115, %lt3A : i32
      %lt3A_119 = arith.constant 0 : i32
      %lt3A_120 = arith.cmpi slt, %select_n3A_114, %lt3A_119 : i32
      %ne3A_121 = arith.xori %lt3A_118, %lt3A_120 : i1
      %and3A_122 = arith.andi %ne3A_121, %ne3A_117 : i1
      %add3A_123 = arith.addi %rem3A_115, %select_n3A_114 : i32
      %select_n3A_124 = arith.select %and3A_122, %add3A_123, %rem3A_115 : i32
      %dma_wait3A_125 = arith.constant 0 : i32
      %dma_wait3A_126 = arith.constant 0 : i32
      %dma_wait3A_127 = arith.constant 0 : i32
      %dma_wait3A_128 = arith.constant 0 : i32
      %dma_wait3A_129 = arith.constant 0 : i32
      %dma_wait3A_130 = tpu.memref_slice %arg8[%dma_wait3A_127, %dma_wait3A_128, %dma_wait3A_129] : memref<4x64x128xf32, #tpu.memory_space<vmem>> -> memref<1x64x128xf32, #tpu.memory_space<vmem>>
      %dma_wait3A_131 = tpu.memref_squeeze %dma_wait3A_130 : memref<1x64x128xf32, #tpu.memory_space<vmem>> -> memref<64x128xf32, #tpu.memory_space<vmem>>
      %dma_wait3A_132 = arith.constant 0 : i32
      %dma_wait3A_133 = arith.constant 0 : i32
      %dma_wait3A_134 = tpu.memref_slice %arg7[%dma_wait3A_125, %dma_wait3A_132, %dma_wait3A_133] : memref<2x16x64xi32, #tpu.memory_space<vmem>> -> memref<1x16x64xi32, #tpu.memory_space<vmem>>
      %dma_wait3A_135 = tpu.memref_squeeze %dma_wait3A_134 : memref<1x16x64xi32, #tpu.memory_space<vmem>> -> memref<16x64xi32, #tpu.memory_space<vmem>>
      %dma_wait3A_136 = arith.constant 0 : i32
      %dma_wait3A_137 = tpu.memref_slice %dma_wait3A_135[%dma_wait3A_126, %dma_wait3A_136] : memref<16x64xi32, #tpu.memory_space<vmem>> -> memref<1x64xi32, #tpu.memory_space<vmem>>
      %dma_wait3A_138 = tpu.memref_squeeze %dma_wait3A_137 : memref<1x64xi32, #tpu.memory_space<vmem>> -> memref<64xi32, #tpu.memory_space<vmem>>
      %dma_wait3A_139 = arith.constant 0 : i32
      %dma_wait3A_140 = arith.constant 0 : i32
      %dma_wait3A_141 = tpu.memref_slice %arg2[%dma_wait3A_139, %dma_wait3A_140] : memref<10000x128xf32, #tpu.memory_space<hbm>> -> memref<10000x128xf32, #tpu.memory_space<hbm>>
      tpu.wait_indirect_dma semaphore(%arg10 : memref<!tpu.dma_semaphore, #tpu.memory_space<semaphore_mem>>) src(%dma_wait3A_141 : memref<10000x128xf32, #tpu.memory_space<hbm>>) dst(%dma_wait3A_131 : memref<64x128xf32, #tpu.memory_space<vmem>>)
      %ge3A = arith.constant 1 : i32
      %ge3A_142 = arith.cmpi sge, %add3A_94, %ge3A : i32
      %convert_element_type3A = arith.extui %ge3A_142 : i1 to i32
      %cond3A = arith.constant 0 : i32
      %cond3A_143 = arith.cmpi ne, %convert_element_type3A, %cond3A : i32
      scf.if %cond3A_143 {
        %dma_wait3A_696 = arith.constant 3 : i32
        %dma_wait3A_697 = arith.constant 0 : i32
        %dma_wait3A_698 = arith.constant 0 : i32
        %dma_wait3A_699 = arith.constant 0 : i32
        %dma_wait3A_700 = arith.constant 0 : i32
        %dma_wait3A_701 = tpu.memref_slice %arg8[%dma_wait3A_696, %dma_wait3A_699, %dma_wait3A_700] : memref<4x64x128xf32, #tpu.memory_space<vmem>> -> memref<1x64x128xf32, #tpu.memory_space<vmem>>
        %dma_wait3A_702 = tpu.memref_squeeze %dma_wait3A_701 : memref<1x64x128xf32, #tpu.memory_space<vmem>> -> memref<64x128xf32, #tpu.memory_space<vmem>>
        %dma_wait3A_703 = arith.constant 0 : i32
        %dma_wait3A_704 = arith.constant 0 : i32
        %dma_wait3A_705 = tpu.memref_slice %arg6[%dma_wait3A_697, %dma_wait3A_703, %dma_wait3A_704] : memref<2x16x64xi32, #tpu.memory_space<vmem>> -> memref<1x16x64xi32, #tpu.memory_space<vmem>>
        %dma_wait3A_706 = tpu.memref_squeeze %dma_wait3A_705 : memref<1x16x64xi32, #tpu.memory_space<vmem>> -> memref<16x64xi32, #tpu.memory_space<vmem>>
        %dma_wait3A_707 = arith.constant 0 : i32
        %dma_wait3A_708 = tpu.memref_slice %dma_wait3A_706[%dma_wait3A_698, %dma_wait3A_707] : memref<16x64xi32, #tpu.memory_space<vmem>> -> memref<1x64xi32, #tpu.memory_space<vmem>>
        %dma_wait3A_709 = tpu.memref_squeeze %dma_wait3A_708 : memref<1x64xi32, #tpu.memory_space<vmem>> -> memref<64xi32, #tpu.memory_space<vmem>>
        %dma_wait3A_710 = arith.constant 0 : i32
        %dma_wait3A_711 = arith.constant 0 : i32
        %dma_wait3A_712 = tpu.memref_slice %arg9[%dma_wait3A_710, %dma_wait3A_711] : memref<10240x128xf32, #tpu.memory_space<vmem_shared>> -> memref<10240x128xf32, #tpu.memory_space<vmem_shared>>
        tpu.wait_indirect_dma semaphore(%arg17 : memref<!tpu.dma_semaphore, #tpu.memory_space<semaphore_mem>>) src(%dma_wait3A_702 : memref<64x128xf32, #tpu.memory_space<vmem>>) dst(%dma_wait3A_712 : memref<10240x128xf32, #tpu.memory_space<vmem_shared>>)
      } else {
      }
      %jit3A_144 = arith.constant 16 : i32
      %eq3A_145 = arith.constant 0 : i32
      %eq3A_146 = arith.cmpi eq, %jit3A_144, %eq3A_145 : i32
      %jit3A_147 = arith.constant 1 : i32
      %select_n3A_148 = arith.select %eq3A_146, %jit3A_147, %jit3A_144 : i32
      %rem3A_149 = arith.remsi %add3A_94, %select_n3A_148 : i32
      %ne3A_150 = arith.constant 0 : i32
      %ne3A_151 = arith.cmpi ne, %rem3A_149, %ne3A_150 : i32
      %lt3A_152 = arith.constant 0 : i32
      %lt3A_153 = arith.cmpi slt, %rem3A_149, %lt3A_152 : i32
      %lt3A_154 = arith.constant 0 : i32
      %lt3A_155 = arith.cmpi slt, %select_n3A_148, %lt3A_154 : i32
      %ne3A_156 = arith.xori %lt3A_153, %lt3A_155 : i1
      %and3A_157 = arith.andi %ne3A_156, %ne3A_151 : i1
      %add3A_158 = arith.addi %rem3A_149, %select_n3A_148 : i32
      %select_n3A_159 = arith.select %and3A_157, %add3A_158, %rem3A_149 : i32
      %dma_start3A_160 = arith.constant 0 : i32
      %dma_start3A_161 = arith.constant 0 : i32
      %dma_start3A_162 = arith.constant 0 : i32
      %dma_start3A_163 = tpu.memref_slice %arg8[%dma_start3A_160, %dma_start3A_161, %dma_start3A_162] : memref<4x64x128xf32, #tpu.memory_space<vmem>> -> memref<1x64x128xf32, #tpu.memory_space<vmem>>
      %dma_start3A_164 = tpu.memref_squeeze %dma_start3A_163 : memref<1x64x128xf32, #tpu.memory_space<vmem>> -> memref<64x128xf32, #tpu.memory_space<vmem>>
      %dma_start3A_165 = arith.constant 0 : i32
      %dma_start3A_166 = arith.constant 0 : i32
      %dma_start3A_167 = tpu.memref_slice %arg6[%select_n3A_124, %dma_start3A_165, %dma_start3A_166] : memref<2x16x64xi32, #tpu.memory_space<vmem>> -> memref<1x16x64xi32, #tpu.memory_space<vmem>>
      %dma_start3A_168 = tpu.memref_squeeze %dma_start3A_167 : memref<1x16x64xi32, #tpu.memory_space<vmem>> -> memref<16x64xi32, #tpu.memory_space<vmem>>
      %dma_start3A_169 = arith.constant 0 : i32
      %dma_start3A_170 = tpu.memref_slice %dma_start3A_168[%select_n3A_159, %dma_start3A_169] : memref<16x64xi32, #tpu.memory_space<vmem>> -> memref<1x64xi32, #tpu.memory_space<vmem>>
      %dma_start3A_171 = tpu.memref_squeeze %dma_start3A_170 : memref<1x64xi32, #tpu.memory_space<vmem>> -> memref<64xi32, #tpu.memory_space<vmem>>
      %dma_start3A_172 = arith.constant 0 : i32
      %dma_start3A_173 = arith.constant 0 : i32
      %dma_start3A_174 = tpu.memref_slice %arg9[%dma_start3A_172, %dma_start3A_173] : memref<10240x128xf32, #tpu.memory_space<vmem_shared>> -> memref<10240x128xf32, #tpu.memory_space<vmem_shared>>
      tpu.enqueue_indirect_dma source(%dma_start3A_164 : memref<64x128xf32, #tpu.memory_space<vmem>>) target(%dma_start3A_174 : memref<10240x128xf32, #tpu.memory_space<vmem_shared>>) offsets(%dma_start3A_171 : memref<64xi32, #tpu.memory_space<vmem>>) semaphore(%arg14 : memref<!tpu.dma_semaphore, #tpu.memory_space<semaphore_mem>>) {add = true}
      %jit3A_175 = arith.constant 16 : i32
      %eq3A_176 = arith.constant 0 : i32
      %eq3A_177 = arith.cmpi eq, %jit3A_175, %eq3A_176 : i32
      %jit3A_178 = arith.constant 1 : i32
      %select_n3A_179 = arith.select %eq3A_177, %jit3A_178, %jit3A_175 : i32
      %rem3A_180 = arith.remsi %add3A_94, %select_n3A_179 : i32
      %ne3A_181 = arith.constant 0 : i32
      %ne3A_182 = arith.cmpi ne, %rem3A_180, %ne3A_181 : i32
      %lt3A_183 = arith.constant 0 : i32
      %lt3A_184 = arith.cmpi slt, %rem3A_180, %lt3A_183 : i32
      %lt3A_185 = arith.constant 0 : i32
      %lt3A_186 = arith.cmpi slt, %select_n3A_179, %lt3A_185 : i32
      %ne3A_187 = arith.xori %lt3A_184, %lt3A_186 : i1
      %and3A_188 = arith.andi %ne3A_187, %ne3A_182 : i1
      %add3A_189 = arith.addi %rem3A_180, %select_n3A_179 : i32
      %select_n3A_190 = arith.select %and3A_188, %add3A_189, %rem3A_180 : i32
      %eq3A_191 = arith.constant 2 : i32
      %eq3A_192 = arith.cmpi eq, %select_n3A_190, %eq3A_191 : i32
      %add3A_193 = arith.constant 1 : i32
      %add3A_194 = arith.addi %select_n3A, %add3A_193 : i32
      %lt3A_195 = arith.constant 10 : i32
      %lt3A_196 = arith.cmpi slt, %add3A_194, %lt3A_195 : i32
      %and3A_197 = arith.andi %eq3A_192, %lt3A_196 : i1
      %convert_element_type3A_198 = arith.extui %and3A_197 : i1 to i32
      %cond3A_199 = arith.constant 0 : i32
      %cond3A_200 = arith.cmpi ne, %convert_element_type3A_198, %cond3A_199 : i32
      scf.if %cond3A_200 {
        %add3A_696 = arith.constant 1 : i32
        %add3A_697 = arith.addi %select_n3A, %add3A_696 : i32
        %mul3A_698 = arith.constant 16 : i32
        %mul3A_699 = arith.muli %add3A_697, %mul3A_698 : i32
        %sub3A_700 = arith.constant 1 : i32
        %sub3A_701 = arith.subi %sub3A_700, %select_n3A_124 : i32
        %dma_start3A_702 = arith.constant 0 : i32
        %dma_start3A_703 = arith.constant 0 : i32
        %dma_start3A_704 = tpu.memref_slice %arg6[%sub3A_701, %dma_start3A_702, %dma_start3A_703] : memref<2x16x64xi32, #tpu.memory_space<vmem>> -> memref<1x16x64xi32, #tpu.memory_space<vmem>>
        %dma_start3A_705 = tpu.memref_squeeze %dma_start3A_704 : memref<1x16x64xi32, #tpu.memory_space<vmem>> -> memref<16x64xi32, #tpu.memory_space<vmem>>
        %dma_start3A_706 = arith.constant 0 : i32
        %dma_start3A_707 = arith.constant 0 : i32
        %dma_start3A_708 = tpu.memref_slice %arg3[%add3A, %dma_start3A_706, %dma_start3A_707] : memref<32x160x64xi32, #tpu.memory_space<hbm>> -> memref<1x160x64xi32, #tpu.memory_space<hbm>>
        %dma_start3A_709 = tpu.memref_squeeze %dma_start3A_708 : memref<1x160x64xi32, #tpu.memory_space<hbm>> -> memref<160x64xi32, #tpu.memory_space<hbm>>
        %dma_start3A_710 = arith.constant 0 : i32
        %dma_start3A_711 = tpu.memref_slice %dma_start3A_709[%mul3A_699, %dma_start3A_710] : memref<160x64xi32, #tpu.memory_space<hbm>> -> memref<16x64xi32, #tpu.memory_space<hbm>>
        %dma_start3A_712 = arith.constant 0 : i32
        %dma_start3A_713 = arith.constant 0 : i32
        %dma_start3A_714 = tpu.memref_slice %arg6[%sub3A_701, %dma_start3A_712, %dma_start3A_713] : memref<2x16x64xi32, #tpu.memory_space<vmem>> -> memref<1x16x64xi32, #tpu.memory_space<vmem>>
        %dma_start3A_715 = tpu.memref_squeeze %dma_start3A_714 : memref<1x16x64xi32, #tpu.memory_space<vmem>> -> memref<16x64xi32, #tpu.memory_space<vmem>>
        %dma_start3A_716 = arith.constant 0 : i32
        %dma_start3A_717 = arith.constant 0 : i32
        %dma_start3A_718 = tpu.memref_slice %arg3[%add3A, %dma_start3A_716, %dma_start3A_717] : memref<32x160x64xi32, #tpu.memory_space<hbm>> -> memref<1x160x64xi32, #tpu.memory_space<hbm>>
        %dma_start3A_719 = tpu.memref_squeeze %dma_start3A_718 : memref<1x160x64xi32, #tpu.memory_space<hbm>> -> memref<160x64xi32, #tpu.memory_space<hbm>>
        %dma_start3A_720 = arith.constant 0 : i32
        %dma_start3A_721 = tpu.memref_slice %dma_start3A_719[%mul3A_699, %dma_start3A_720] : memref<160x64xi32, #tpu.memory_space<hbm>> -> memref<16x64xi32, #tpu.memory_space<hbm>>
        tpu.enqueue_dma source(%dma_start3A_721 : memref<16x64xi32, #tpu.memory_space<hbm>>) target(%dma_start3A_715 : memref<16x64xi32, #tpu.memory_space<vmem>>) target_semaphore(%arg18 : memref<!tpu.dma_semaphore, #tpu.memory_space<semaphore_mem>>)
        %add3A_722 = arith.constant 1 : i32
        %add3A_723 = arith.addi %select_n3A, %add3A_722 : i32
        %mul3A_724 = arith.constant 16 : i32
        %mul3A_725 = arith.muli %add3A_723, %mul3A_724 : i32
        %sub3A_726 = arith.constant 1 : i32
        %sub3A_727 = arith.subi %sub3A_726, %select_n3A_124 : i32
        %dma_start3A_728 = arith.constant 0 : i32
        %dma_start3A_729 = arith.constant 0 : i32
        %dma_start3A_730 = tpu.memref_slice %arg7[%sub3A_727, %dma_start3A_728, %dma_start3A_729] : memref<2x16x64xi32, #tpu.memory_space<vmem>> -> memref<1x16x64xi32, #tpu.memory_space<vmem>>
        %dma_start3A_731 = tpu.memref_squeeze %dma_start3A_730 : memref<1x16x64xi32, #tpu.memory_space<vmem>> -> memref<16x64xi32, #tpu.memory_space<vmem>>
        %dma_start3A_732 = arith.constant 0 : i32
        %dma_start3A_733 = arith.constant 0 : i32
        %dma_start3A_734 = tpu.memref_slice %arg4[%add3A, %dma_start3A_732, %dma_start3A_733] : memref<32x160x64xi32, #tpu.memory_space<hbm>> -> memref<1x160x64xi32, #tpu.memory_space<hbm>>
        %dma_start3A_735 = tpu.memref_squeeze %dma_start3A_734 : memref<1x160x64xi32, #tpu.memory_space<hbm>> -> memref<160x64xi32, #tpu.memory_space<hbm>>
        %dma_start3A_736 = arith.constant 0 : i32
        %dma_start3A_737 = tpu.memref_slice %dma_start3A_735[%mul3A_725, %dma_start3A_736] : memref<160x64xi32, #tpu.memory_space<hbm>> -> memref<16x64xi32, #tpu.memory_space<hbm>>
        %dma_start3A_738 = arith.constant 0 : i32
        %dma_start3A_739 = arith.constant 0 : i32
        %dma_start3A_740 = tpu.memref_slice %arg7[%sub3A_727, %dma_start3A_738, %dma_start3A_739] : memref<2x16x64xi32, #tpu.memory_space<vmem>> -> memref<1x16x64xi32, #tpu.memory_space<vmem>>
        %dma_start3A_741 = tpu.memref_squeeze %dma_start3A_740 : memref<1x16x64xi32, #tpu.memory_space<vmem>> -> memref<16x64xi32, #tpu.memory_space<vmem>>
        %dma_start3A_742 = arith.constant 0 : i32
        %dma_start3A_743 = arith.constant 0 : i32
        %dma_start3A_744 = tpu.memref_slice %arg4[%add3A, %dma_start3A_742, %dma_start3A_743] : memref<32x160x64xi32, #tpu.memory_space<hbm>> -> memref<1x160x64xi32, #tpu.memory_space<hbm>>
        %dma_start3A_745 = tpu.memref_squeeze %dma_start3A_744 : memref<1x160x64xi32, #tpu.memory_space<hbm>> -> memref<160x64xi32, #tpu.memory_space<hbm>>
        %dma_start3A_746 = arith.constant 0 : i32
        %dma_start3A_747 = tpu.memref_slice %dma_start3A_745[%mul3A_725, %dma_start3A_746] : memref<160x64xi32, #tpu.memory_space<hbm>> -> memref<16x64xi32, #tpu.memory_space<hbm>>
        tpu.enqueue_dma source(%dma_start3A_747 : memref<16x64xi32, #tpu.memory_space<hbm>>) target(%dma_start3A_741 : memref<16x64xi32, #tpu.memory_space<vmem>>) target_semaphore(%arg18 : memref<!tpu.dma_semaphore, #tpu.memory_space<semaphore_mem>>)
      } else {
      }
      %jit3A_201 = arith.constant 16 : i32
      %eq3A_202 = arith.constant 0 : i32
      %eq3A_203 = arith.cmpi eq, %jit3A_201, %eq3A_202 : i32
      %jit3A_204 = arith.constant 1 : i32
      %select_n3A_205 = arith.select %eq3A_203, %jit3A_204, %jit3A_201 : i32
      %rem3A_206 = arith.remsi %add3A_94, %select_n3A_205 : i32
      %ne3A_207 = arith.constant 0 : i32
      %ne3A_208 = arith.cmpi ne, %rem3A_206, %ne3A_207 : i32
      %lt3A_209 = arith.constant 0 : i32
      %lt3A_210 = arith.cmpi slt, %rem3A_206, %lt3A_209 : i32
      %lt3A_211 = arith.constant 0 : i32
      %lt3A_212 = arith.cmpi slt, %select_n3A_205, %lt3A_211 : i32
      %ne3A_213 = arith.xori %lt3A_210, %lt3A_212 : i1
      %and3A_214 = arith.andi %ne3A_213, %ne3A_208 : i1
      %add3A_215 = arith.addi %rem3A_206, %select_n3A_205 : i32
      %select_n3A_216 = arith.select %and3A_214, %add3A_215, %rem3A_206 : i32
      %eq3A_217 = arith.constant 12 : i32
      %eq3A_218 = arith.cmpi eq, %select_n3A_216, %eq3A_217 : i32
      %add3A_219 = arith.constant 1 : i32
      %add3A_220 = arith.addi %select_n3A, %add3A_219 : i32
      %lt3A_221 = arith.constant 10 : i32
      %lt3A_222 = arith.cmpi slt, %add3A_220, %lt3A_221 : i32
      %and3A_223 = arith.andi %eq3A_218, %lt3A_222 : i1
      %convert_element_type3A_224 = arith.extui %and3A_223 : i1 to i32
      %cond3A_225 = arith.constant 0 : i32
      %cond3A_226 = arith.cmpi ne, %convert_element_type3A_224, %cond3A_225 : i32
      scf.if %cond3A_226 {
        %sub3A_696 = arith.constant 1 : i32
        %sub3A_697 = arith.subi %sub3A_696, %select_n3A_124 : i32
        %dma_wait3A_698 = arith.constant 0 : i32
        %dma_wait3A_699 = arith.constant 0 : i32
        %dma_wait3A_700 = tpu.memref_slice %arg6[%sub3A_697, %dma_wait3A_698, %dma_wait3A_699] : memref<2x16x64xi32, #tpu.memory_space<vmem>> -> memref<1x16x64xi32, #tpu.memory_space<vmem>>
        %dma_wait3A_701 = tpu.memref_squeeze %dma_wait3A_700 : memref<1x16x64xi32, #tpu.memory_space<vmem>> -> memref<16x64xi32, #tpu.memory_space<vmem>>
        %dma_wait3A_702 = arith.constant 0 : i32
        %dma_wait3A_703 = arith.constant 0 : i32
        %dma_wait3A_704 = tpu.memref_slice %arg3[%add3A, %dma_wait3A_702, %dma_wait3A_703] : memref<32x160x64xi32, #tpu.memory_space<hbm>> -> memref<1x160x64xi32, #tpu.memory_space<hbm>>
        %dma_wait3A_705 = tpu.memref_squeeze %dma_wait3A_704 : memref<1x160x64xi32, #tpu.memory_space<hbm>> -> memref<160x64xi32, #tpu.memory_space<hbm>>
        %dma_wait3A_706 = arith.constant 0 : i32
        %dma_wait3A_707 = arith.constant 0 : i32
        %dma_wait3A_708 = tpu.memref_slice %dma_wait3A_705[%dma_wait3A_706, %dma_wait3A_707] : memref<160x64xi32, #tpu.memory_space<hbm>> -> memref<16x64xi32, #tpu.memory_space<hbm>>
        %dma_wait3A_709 = arith.constant 0 : i32
        %dma_wait3A_710 = arith.constant 0 : i32
        %dma_wait3A_711 = tpu.memref_slice %arg6[%sub3A_697, %dma_wait3A_709, %dma_wait3A_710] : memref<2x16x64xi32, #tpu.memory_space<vmem>> -> memref<1x16x64xi32, #tpu.memory_space<vmem>>
        %dma_wait3A_712 = tpu.memref_squeeze %dma_wait3A_711 : memref<1x16x64xi32, #tpu.memory_space<vmem>> -> memref<16x64xi32, #tpu.memory_space<vmem>>
        %dma_wait3A_713 = arith.constant 0 : i32
        %dma_wait3A_714 = arith.constant 0 : i32
        %dma_wait3A_715 = tpu.memref_slice %arg3[%add3A, %dma_wait3A_713, %dma_wait3A_714] : memref<32x160x64xi32, #tpu.memory_space<hbm>> -> memref<1x160x64xi32, #tpu.memory_space<hbm>>
        %dma_wait3A_716 = tpu.memref_squeeze %dma_wait3A_715 : memref<1x160x64xi32, #tpu.memory_space<hbm>> -> memref<160x64xi32, #tpu.memory_space<hbm>>
        %dma_wait3A_717 = arith.constant 0 : i32
        %dma_wait3A_718 = arith.constant 0 : i32
        %dma_wait3A_719 = tpu.memref_slice %dma_wait3A_716[%dma_wait3A_717, %dma_wait3A_718] : memref<160x64xi32, #tpu.memory_space<hbm>> -> memref<16x64xi32, #tpu.memory_space<hbm>>
        tpu.wait_dma2 semaphore(%arg18 : memref<!tpu.dma_semaphore, #tpu.memory_space<semaphore_mem>>) src(%dma_wait3A_719 : memref<16x64xi32, #tpu.memory_space<hbm>>) dst(%dma_wait3A_712 : memref<16x64xi32, #tpu.memory_space<vmem>>)
        %sub3A_720 = arith.constant 1 : i32
        %sub3A_721 = arith.subi %sub3A_720, %select_n3A_124 : i32
        %dma_wait3A_722 = arith.constant 0 : i32
        %dma_wait3A_723 = arith.constant 0 : i32
        %dma_wait3A_724 = tpu.memref_slice %arg7[%sub3A_721, %dma_wait3A_722, %dma_wait3A_723] : memref<2x16x64xi32, #tpu.memory_space<vmem>> -> memref<1x16x64xi32, #tpu.memory_space<vmem>>
        %dma_wait3A_725 = tpu.memref_squeeze %dma_wait3A_724 : memref<1x16x64xi32, #tpu.memory_space<vmem>> -> memref<16x64xi32, #tpu.memory_space<vmem>>
        %dma_wait3A_726 = arith.constant 0 : i32
        %dma_wait3A_727 = arith.constant 0 : i32
        %dma_wait3A_728 = tpu.memref_slice %arg4[%add3A, %dma_wait3A_726, %dma_wait3A_727] : memref<32x160x64xi32, #tpu.memory_space<hbm>> -> memref<1x160x64xi32, #tpu.memory_space<hbm>>
        %dma_wait3A_729 = tpu.memref_squeeze %dma_wait3A_728 : memref<1x160x64xi32, #tpu.memory_space<hbm>> -> memref<160x64xi32, #tpu.memory_space<hbm>>
        %dma_wait3A_730 = arith.constant 0 : i32
        %dma_wait3A_731 = arith.constant 0 : i32
        %dma_wait3A_732 = tpu.memref_slice %dma_wait3A_729[%dma_wait3A_730, %dma_wait3A_731] : memref<160x64xi32, #tpu.memory_space<hbm>> -> memref<16x64xi32, #tpu.memory_space<hbm>>
        %dma_wait3A_733 = arith.constant 0 : i32
        %dma_wait3A_734 = arith.constant 0 : i32
        %dma_wait3A_735 = tpu.memref_slice %arg7[%sub3A_721, %dma_wait3A_733, %dma_wait3A_734] : memref<2x16x64xi32, #tpu.memory_space<vmem>> -> memref<1x16x64xi32, #tpu.memory_space<vmem>>
        %dma_wait3A_736 = tpu.memref_squeeze %dma_wait3A_735 : memref<1x16x64xi32, #tpu.memory_space<vmem>> -> memref<16x64xi32, #tpu.memory_space<vmem>>
        %dma_wait3A_737 = arith.constant 0 : i32
        %dma_wait3A_738 = arith.constant 0 : i32
        %dma_wait3A_739 = tpu.memref_slice %arg4[%add3A, %dma_wait3A_737, %dma_wait3A_738] : memref<32x160x64xi32, #tpu.memory_space<hbm>> -> memref<1x160x64xi32, #tpu.memory_space<hbm>>
        %dma_wait3A_740 = tpu.memref_squeeze %dma_wait3A_739 : memref<1x160x64xi32, #tpu.memory_space<hbm>> -> memref<160x64xi32, #tpu.memory_space<hbm>>
        %dma_wait3A_741 = arith.constant 0 : i32
        %dma_wait3A_742 = arith.constant 0 : i32
        %dma_wait3A_743 = tpu.memref_slice %dma_wait3A_740[%dma_wait3A_741, %dma_wait3A_742] : memref<160x64xi32, #tpu.memory_space<hbm>> -> memref<16x64xi32, #tpu.memory_space<hbm>>
        tpu.wait_dma2 semaphore(%arg18 : memref<!tpu.dma_semaphore, #tpu.memory_space<semaphore_mem>>) src(%dma_wait3A_743 : memref<16x64xi32, #tpu.memory_space<hbm>>) dst(%dma_wait3A_736 : memref<16x64xi32, #tpu.memory_space<vmem>>)
      } else {
      }
      %add3A_227 = arith.constant 3 : i32
      %add3A_228 = arith.addi %add3A_94, %add3A_227 : i32
      %lt3A_229 = arith.constant 160 : i32
      %lt3A_230 = arith.cmpi slt, %add3A_228, %lt3A_229 : i32
      %convert_element_type3A_231 = arith.extui %lt3A_230 : i1 to i32
      %cond3A_232 = arith.constant 0 : i32
      %cond3A_233 = arith.cmpi ne, %convert_element_type3A_231, %cond3A_232 : i32
      scf.if %cond3A_233 {
        %add3A_696 = arith.constant 3 : i32
        %add3A_697 = arith.addi %add3A_94, %add3A_696 : i32
        %jit3A_698 = arith.constant 16 : i32
        %div3A_699 = arith.divsi %add3A_697, %jit3A_698 : i32
        %sign3A_700 = arith.constant 0 : i32
        %sign3A_701 = arith.cmpi sgt, %add3A_697, %sign3A_700 : i32
        %sign3A_702 = arith.extui %sign3A_701 : i1 to i32
        %sign3A_703 = arith.constant 0 : i32
        %sign3A_704 = arith.cmpi slt, %add3A_697, %sign3A_703 : i32
        %sign3A_705 = arith.extui %sign3A_704 : i1 to i32
        %sign3A_706 = arith.subi %sign3A_702, %sign3A_705 : i32
        %sign3A_707 = arith.constant 0 : i32
        %sign3A_708 = arith.cmpi sgt, %jit3A_698, %sign3A_707 : i32
        %sign3A_709 = arith.extui %sign3A_708 : i1 to i32
        %sign3A_710 = arith.constant 0 : i32
        %sign3A_711 = arith.cmpi slt, %jit3A_698, %sign3A_710 : i32
        %sign3A_712 = arith.extui %sign3A_711 : i1 to i32
        %sign3A_713 = arith.subi %sign3A_709, %sign3A_712 : i32
        %ne3A_714 = arith.cmpi ne, %sign3A_706, %sign3A_713 : i32
        %rem3A_715 = arith.remsi %add3A_697, %jit3A_698 : i32
        %ne3A_716 = arith.constant 0 : i32
        %ne3A_717 = arith.cmpi ne, %rem3A_715, %ne3A_716 : i32
        %and3A_718 = arith.andi %ne3A_714, %ne3A_717 : i1
        %sub3A_719 = arith.constant 1 : i32
        %sub3A_720 = arith.subi %div3A_699, %sub3A_719 : i32
        %select_n3A_721 = arith.select %and3A_718, %sub3A_720, %div3A_699 : i32
        %jit3A_722 = arith.constant 2 : i32
        %eq3A_723 = arith.constant 0 : i32
        %eq3A_724 = arith.cmpi eq, %jit3A_722, %eq3A_723 : i32
        %jit3A_725 = arith.constant 1 : i32
        %select_n3A_726 = arith.select %eq3A_724, %jit3A_725, %jit3A_722 : i32
        %rem3A_727 = arith.remsi %select_n3A_721, %select_n3A_726 : i32
        %ne3A_728 = arith.constant 0 : i32
        %ne3A_729 = arith.cmpi ne, %rem3A_727, %ne3A_728 : i32
        %lt3A_730 = arith.constant 0 : i32
        %lt3A_731 = arith.cmpi slt, %rem3A_727, %lt3A_730 : i32
        %lt3A_732 = arith.constant 0 : i32
        %lt3A_733 = arith.cmpi slt, %select_n3A_726, %lt3A_732 : i32
        %ne3A_734 = arith.xori %lt3A_731, %lt3A_733 : i1
        %and3A_735 = arith.andi %ne3A_734, %ne3A_729 : i1
        %add3A_736 = arith.addi %rem3A_727, %select_n3A_726 : i32
        %select_n3A_737 = arith.select %and3A_735, %add3A_736, %rem3A_727 : i32
        %jit3A_738 = arith.constant 16 : i32
        %eq3A_739 = arith.constant 0 : i32
        %eq3A_740 = arith.cmpi eq, %jit3A_738, %eq3A_739 : i32
        %jit3A_741 = arith.constant 1 : i32
        %select_n3A_742 = arith.select %eq3A_740, %jit3A_741, %jit3A_738 : i32
        %rem3A_743 = arith.remsi %add3A_697, %select_n3A_742 : i32
        %ne3A_744 = arith.constant 0 : i32
        %ne3A_745 = arith.cmpi ne, %rem3A_743, %ne3A_744 : i32
        %lt3A_746 = arith.constant 0 : i32
        %lt3A_747 = arith.cmpi slt, %rem3A_743, %lt3A_746 : i32
        %lt3A_748 = arith.constant 0 : i32
        %lt3A_749 = arith.cmpi slt, %select_n3A_742, %lt3A_748 : i32
        %ne3A_750 = arith.xori %lt3A_747, %lt3A_749 : i1
        %and3A_751 = arith.andi %ne3A_750, %ne3A_745 : i1
        %add3A_752 = arith.addi %rem3A_743, %select_n3A_742 : i32
        %select_n3A_753 = arith.select %and3A_751, %add3A_752, %rem3A_743 : i32
        %dma_start3A_754 = arith.constant 3 : i32
        %dma_start3A_755 = arith.constant 0 : i32
        %dma_start3A_756 = arith.constant 0 : i32
        %dma_start3A_757 = tpu.memref_slice %arg8[%dma_start3A_754, %dma_start3A_755, %dma_start3A_756] : memref<4x64x128xf32, #tpu.memory_space<vmem>> -> memref<1x64x128xf32, #tpu.memory_space<vmem>>
        %dma_start3A_758 = tpu.memref_squeeze %dma_start3A_757 : memref<1x64x128xf32, #tpu.memory_space<vmem>> -> memref<64x128xf32, #tpu.memory_space<vmem>>
        %dma_start3A_759 = arith.constant 0 : i32
        %dma_start3A_760 = arith.constant 0 : i32
        %dma_start3A_761 = tpu.memref_slice %arg7[%select_n3A_737, %dma_start3A_759, %dma_start3A_760] : memref<2x16x64xi32, #tpu.memory_space<vmem>> -> memref<1x16x64xi32, #tpu.memory_space<vmem>>
        %dma_start3A_762 = tpu.memref_squeeze %dma_start3A_761 : memref<1x16x64xi32, #tpu.memory_space<vmem>> -> memref<16x64xi32, #tpu.memory_space<vmem>>
        %dma_start3A_763 = arith.constant 0 : i32
        %dma_start3A_764 = tpu.memref_slice %dma_start3A_762[%select_n3A_753, %dma_start3A_763] : memref<16x64xi32, #tpu.memory_space<vmem>> -> memref<1x64xi32, #tpu.memory_space<vmem>>
        %dma_start3A_765 = tpu.memref_squeeze %dma_start3A_764 : memref<1x64xi32, #tpu.memory_space<vmem>> -> memref<64xi32, #tpu.memory_space<vmem>>
        %dma_start3A_766 = arith.constant 0 : i32
        %dma_start3A_767 = arith.constant 0 : i32
        %dma_start3A_768 = tpu.memref_slice %arg2[%dma_start3A_766, %dma_start3A_767] : memref<10000x128xf32, #tpu.memory_space<hbm>> -> memref<10000x128xf32, #tpu.memory_space<hbm>>
        tpu.enqueue_indirect_dma source(%dma_start3A_768 : memref<10000x128xf32, #tpu.memory_space<hbm>>) target(%dma_start3A_758 : memref<64x128xf32, #tpu.memory_space<vmem>>) offsets(%dma_start3A_765 : memref<64xi32, #tpu.memory_space<vmem>>) semaphore(%arg13 : memref<!tpu.dma_semaphore, #tpu.memory_space<semaphore_mem>>)
      } else {
      }
      %add3A_234 = arith.constant 1 : i32
      %add3A_235 = arith.addi %add3A_92, %add3A_234 : i32
      %jit3A_236 = arith.constant 16 : i32
      %div3A_237 = arith.divsi %add3A_235, %jit3A_236 : i32
      %sign3A_238 = arith.constant 0 : i32
      %sign3A_239 = arith.cmpi sgt, %add3A_235, %sign3A_238 : i32
      %sign3A_240 = arith.extui %sign3A_239 : i1 to i32
      %sign3A_241 = arith.constant 0 : i32
      %sign3A_242 = arith.cmpi slt, %add3A_235, %sign3A_241 : i32
      %sign3A_243 = arith.extui %sign3A_242 : i1 to i32
      %sign3A_244 = arith.subi %sign3A_240, %sign3A_243 : i32
      %sign3A_245 = arith.constant 0 : i32
      %sign3A_246 = arith.cmpi sgt, %jit3A_236, %sign3A_245 : i32
      %sign3A_247 = arith.extui %sign3A_246 : i1 to i32
      %sign3A_248 = arith.constant 0 : i32
      %sign3A_249 = arith.cmpi slt, %jit3A_236, %sign3A_248 : i32
      %sign3A_250 = arith.extui %sign3A_249 : i1 to i32
      %sign3A_251 = arith.subi %sign3A_247, %sign3A_250 : i32
      %ne3A_252 = arith.cmpi ne, %sign3A_244, %sign3A_251 : i32
      %rem3A_253 = arith.remsi %add3A_235, %jit3A_236 : i32
      %ne3A_254 = arith.constant 0 : i32
      %ne3A_255 = arith.cmpi ne, %rem3A_253, %ne3A_254 : i32
      %and3A_256 = arith.andi %ne3A_252, %ne3A_255 : i1
      %sub3A_257 = arith.constant 1 : i32
      %sub3A_258 = arith.subi %div3A_237, %sub3A_257 : i32
      %select_n3A_259 = arith.select %and3A_256, %sub3A_258, %div3A_237 : i32
      %jit3A_260 = arith.constant 2 : i32
      %eq3A_261 = arith.constant 0 : i32
      %eq3A_262 = arith.cmpi eq, %jit3A_260, %eq3A_261 : i32
      %jit3A_263 = arith.constant 1 : i32
      %select_n3A_264 = arith.select %eq3A_262, %jit3A_263, %jit3A_260 : i32
      %rem3A_265 = arith.remsi %select_n3A_259, %select_n3A_264 : i32
      %ne3A_266 = arith.constant 0 : i32
      %ne3A_267 = arith.cmpi ne, %rem3A_265, %ne3A_266 : i32
      %lt3A_268 = arith.constant 0 : i32
      %lt3A_269 = arith.cmpi slt, %rem3A_265, %lt3A_268 : i32
      %lt3A_270 = arith.constant 0 : i32
      %lt3A_271 = arith.cmpi slt, %select_n3A_264, %lt3A_270 : i32
      %ne3A_272 = arith.xori %lt3A_269, %lt3A_271 : i1
      %and3A_273 = arith.andi %ne3A_272, %ne3A_267 : i1
      %add3A_274 = arith.addi %rem3A_265, %select_n3A_264 : i32
      %select_n3A_275 = arith.select %and3A_273, %add3A_274, %rem3A_265 : i32
      %dma_wait3A_276 = arith.constant 0 : i32
      %dma_wait3A_277 = arith.constant 0 : i32
      %dma_wait3A_278 = arith.constant 1 : i32
      %dma_wait3A_279 = arith.constant 0 : i32
      %dma_wait3A_280 = arith.constant 0 : i32
      %dma_wait3A_281 = tpu.memref_slice %arg8[%dma_wait3A_278, %dma_wait3A_279, %dma_wait3A_280] : memref<4x64x128xf32, #tpu.memory_space<vmem>> -> memref<1x64x128xf32, #tpu.memory_space<vmem>>
      %dma_wait3A_282 = tpu.memref_squeeze %dma_wait3A_281 : memref<1x64x128xf32, #tpu.memory_space<vmem>> -> memref<64x128xf32, #tpu.memory_space<vmem>>
      %dma_wait3A_283 = arith.constant 0 : i32
      %dma_wait3A_284 = arith.constant 0 : i32
      %dma_wait3A_285 = tpu.memref_slice %arg7[%dma_wait3A_276, %dma_wait3A_283, %dma_wait3A_284] : memref<2x16x64xi32, #tpu.memory_space<vmem>> -> memref<1x16x64xi32, #tpu.memory_space<vmem>>
      %dma_wait3A_286 = tpu.memref_squeeze %dma_wait3A_285 : memref<1x16x64xi32, #tpu.memory_space<vmem>> -> memref<16x64xi32, #tpu.memory_space<vmem>>
      %dma_wait3A_287 = arith.constant 0 : i32
      %dma_wait3A_288 = tpu.memref_slice %dma_wait3A_286[%dma_wait3A_277, %dma_wait3A_287] : memref<16x64xi32, #tpu.memory_space<vmem>> -> memref<1x64xi32, #tpu.memory_space<vmem>>
      %dma_wait3A_289 = tpu.memref_squeeze %dma_wait3A_288 : memref<1x64xi32, #tpu.memory_space<vmem>> -> memref<64xi32, #tpu.memory_space<vmem>>
      %dma_wait3A_290 = arith.constant 0 : i32
      %dma_wait3A_291 = arith.constant 0 : i32
      %dma_wait3A_292 = tpu.memref_slice %arg2[%dma_wait3A_290, %dma_wait3A_291] : memref<10000x128xf32, #tpu.memory_space<hbm>> -> memref<10000x128xf32, #tpu.memory_space<hbm>>
      tpu.wait_indirect_dma semaphore(%arg11 : memref<!tpu.dma_semaphore, #tpu.memory_space<semaphore_mem>>) src(%dma_wait3A_292 : memref<10000x128xf32, #tpu.memory_space<hbm>>) dst(%dma_wait3A_282 : memref<64x128xf32, #tpu.memory_space<vmem>>)
      %ge3A_293 = arith.constant 1 : i32
      %ge3A_294 = arith.cmpi sge, %add3A_235, %ge3A_293 : i32
      %convert_element_type3A_295 = arith.extui %ge3A_294 : i1 to i32
      %cond3A_296 = arith.constant 0 : i32
      %cond3A_297 = arith.cmpi ne, %convert_element_type3A_295, %cond3A_296 : i32
      scf.if %cond3A_297 {
        %dma_wait3A_696 = arith.constant 0 : i32
        %dma_wait3A_697 = arith.constant 0 : i32
        %dma_wait3A_698 = arith.constant 0 : i32
        %dma_wait3A_699 = arith.constant 0 : i32
        %dma_wait3A_700 = arith.constant 0 : i32
        %dma_wait3A_701 = tpu.memref_slice %arg8[%dma_wait3A_696, %dma_wait3A_699, %dma_wait3A_700] : memref<4x64x128xf32, #tpu.memory_space<vmem>> -> memref<1x64x128xf32, #tpu.memory_space<vmem>>
        %dma_wait3A_702 = tpu.memref_squeeze %dma_wait3A_701 : memref<1x64x128xf32, #tpu.memory_space<vmem>> -> memref<64x128xf32, #tpu.memory_space<vmem>>
        %dma_wait3A_703 = arith.constant 0 : i32
        %dma_wait3A_704 = arith.constant 0 : i32
        %dma_wait3A_705 = tpu.memref_slice %arg6[%dma_wait3A_697, %dma_wait3A_703, %dma_wait3A_704] : memref<2x16x64xi32, #tpu.memory_space<vmem>> -> memref<1x16x64xi32, #tpu.memory_space<vmem>>
        %dma_wait3A_706 = tpu.memref_squeeze %dma_wait3A_705 : memref<1x16x64xi32, #tpu.memory_space<vmem>> -> memref<16x64xi32, #tpu.memory_space<vmem>>
        %dma_wait3A_707 = arith.constant 0 : i32
        %dma_wait3A_708 = tpu.memref_slice %dma_wait3A_706[%dma_wait3A_698, %dma_wait3A_707] : memref<16x64xi32, #tpu.memory_space<vmem>> -> memref<1x64xi32, #tpu.memory_space<vmem>>
        %dma_wait3A_709 = tpu.memref_squeeze %dma_wait3A_708 : memref<1x64xi32, #tpu.memory_space<vmem>> -> memref<64xi32, #tpu.memory_space<vmem>>
        %dma_wait3A_710 = arith.constant 0 : i32
        %dma_wait3A_711 = arith.constant 0 : i32
        %dma_wait3A_712 = tpu.memref_slice %arg9[%dma_wait3A_710, %dma_wait3A_711] : memref<10240x128xf32, #tpu.memory_space<vmem_shared>> -> memref<10240x128xf32, #tpu.memory_space<vmem_shared>>
        tpu.wait_indirect_dma semaphore(%arg14 : memref<!tpu.dma_semaphore, #tpu.memory_space<semaphore_mem>>) src(%dma_wait3A_702 : memref<64x128xf32, #tpu.memory_space<vmem>>) dst(%dma_wait3A_712 : memref<10240x128xf32, #tpu.memory_space<vmem_shared>>)
      } else {
      }
      %jit3A_298 = arith.constant 16 : i32
      %eq3A_299 = arith.constant 0 : i32
      %eq3A_300 = arith.cmpi eq, %jit3A_298, %eq3A_299 : i32
      %jit3A_301 = arith.constant 1 : i32
      %select_n3A_302 = arith.select %eq3A_300, %jit3A_301, %jit3A_298 : i32
      %rem3A_303 = arith.remsi %add3A_235, %select_n3A_302 : i32
      %ne3A_304 = arith.constant 0 : i32
      %ne3A_305 = arith.cmpi ne, %rem3A_303, %ne3A_304 : i32
      %lt3A_306 = arith.constant 0 : i32
      %lt3A_307 = arith.cmpi slt, %rem3A_303, %lt3A_306 : i32
      %lt3A_308 = arith.constant 0 : i32
      %lt3A_309 = arith.cmpi slt, %select_n3A_302, %lt3A_308 : i32
      %ne3A_310 = arith.xori %lt3A_307, %lt3A_309 : i1
      %and3A_311 = arith.andi %ne3A_310, %ne3A_305 : i1
      %add3A_312 = arith.addi %rem3A_303, %select_n3A_302 : i32
      %select_n3A_313 = arith.select %and3A_311, %add3A_312, %rem3A_303 : i32
      %dma_start3A_314 = arith.constant 1 : i32
      %dma_start3A_315 = arith.constant 0 : i32
      %dma_start3A_316 = arith.constant 0 : i32
      %dma_start3A_317 = tpu.memref_slice %arg8[%dma_start3A_314, %dma_start3A_315, %dma_start3A_316] : memref<4x64x128xf32, #tpu.memory_space<vmem>> -> memref<1x64x128xf32, #tpu.memory_space<vmem>>
      %dma_start3A_318 = tpu.memref_squeeze %dma_start3A_317 : memref<1x64x128xf32, #tpu.memory_space<vmem>> -> memref<64x128xf32, #tpu.memory_space<vmem>>
      %dma_start3A_319 = arith.constant 0 : i32
      %dma_start3A_320 = arith.constant 0 : i32
      %dma_start3A_321 = tpu.memref_slice %arg6[%select_n3A_275, %dma_start3A_319, %dma_start3A_320] : memref<2x16x64xi32, #tpu.memory_space<vmem>> -> memref<1x16x64xi32, #tpu.memory_space<vmem>>
      %dma_start3A_322 = tpu.memref_squeeze %dma_start3A_321 : memref<1x16x64xi32, #tpu.memory_space<vmem>> -> memref<16x64xi32, #tpu.memory_space<vmem>>
      %dma_start3A_323 = arith.constant 0 : i32
      %dma_start3A_324 = tpu.memref_slice %dma_start3A_322[%select_n3A_313, %dma_start3A_323] : memref<16x64xi32, #tpu.memory_space<vmem>> -> memref<1x64xi32, #tpu.memory_space<vmem>>
      %dma_start3A_325 = tpu.memref_squeeze %dma_start3A_324 : memref<1x64xi32, #tpu.memory_space<vmem>> -> memref<64xi32, #tpu.memory_space<vmem>>
      %dma_start3A_326 = arith.constant 0 : i32
      %dma_start3A_327 = arith.constant 0 : i32
      %dma_start3A_328 = tpu.memref_slice %arg9[%dma_start3A_326, %dma_start3A_327] : memref<10240x128xf32, #tpu.memory_space<vmem_shared>> -> memref<10240x128xf32, #tpu.memory_space<vmem_shared>>
      tpu.enqueue_indirect_dma source(%dma_start3A_318 : memref<64x128xf32, #tpu.memory_space<vmem>>) target(%dma_start3A_328 : memref<10240x128xf32, #tpu.memory_space<vmem_shared>>) offsets(%dma_start3A_325 : memref<64xi32, #tpu.memory_space<vmem>>) semaphore(%arg15 : memref<!tpu.dma_semaphore, #tpu.memory_space<semaphore_mem>>) {add = true}
      %jit3A_329 = arith.constant 16 : i32
      %eq3A_330 = arith.constant 0 : i32
      %eq3A_331 = arith.cmpi eq, %jit3A_329, %eq3A_330 : i32
      %jit3A_332 = arith.constant 1 : i32
      %select_n3A_333 = arith.select %eq3A_331, %jit3A_332, %jit3A_329 : i32
      %rem3A_334 = arith.remsi %add3A_235, %select_n3A_333 : i32
      %ne3A_335 = arith.constant 0 : i32
      %ne3A_336 = arith.cmpi ne, %rem3A_334, %ne3A_335 : i32
      %lt3A_337 = arith.constant 0 : i32
      %lt3A_338 = arith.cmpi slt, %rem3A_334, %lt3A_337 : i32
      %lt3A_339 = arith.constant 0 : i32
      %lt3A_340 = arith.cmpi slt, %select_n3A_333, %lt3A_339 : i32
      %ne3A_341 = arith.xori %lt3A_338, %lt3A_340 : i1
      %and3A_342 = arith.andi %ne3A_341, %ne3A_336 : i1
      %add3A_343 = arith.addi %rem3A_334, %select_n3A_333 : i32
      %select_n3A_344 = arith.select %and3A_342, %add3A_343, %rem3A_334 : i32
      %eq3A_345 = arith.constant 2 : i32
      %eq3A_346 = arith.cmpi eq, %select_n3A_344, %eq3A_345 : i32
      %add3A_347 = arith.constant 1 : i32
      %add3A_348 = arith.addi %select_n3A_259, %add3A_347 : i32
      %lt3A_349 = arith.constant 10 : i32
      %lt3A_350 = arith.cmpi slt, %add3A_348, %lt3A_349 : i32
      %and3A_351 = arith.andi %eq3A_346, %lt3A_350 : i1
      %convert_element_type3A_352 = arith.extui %and3A_351 : i1 to i32
      %cond3A_353 = arith.constant 0 : i32
      %cond3A_354 = arith.cmpi ne, %convert_element_type3A_352, %cond3A_353 : i32
      scf.if %cond3A_354 {
        %add3A_696 = arith.constant 1 : i32
        %add3A_697 = arith.addi %select_n3A_259, %add3A_696 : i32
        %mul3A_698 = arith.constant 16 : i32
        %mul3A_699 = arith.muli %add3A_697, %mul3A_698 : i32
        %sub3A_700 = arith.constant 1 : i32
        %sub3A_701 = arith.subi %sub3A_700, %select_n3A_275 : i32
        %dma_start3A_702 = arith.constant 0 : i32
        %dma_start3A_703 = arith.constant 0 : i32
        %dma_start3A_704 = tpu.memref_slice %arg6[%sub3A_701, %dma_start3A_702, %dma_start3A_703] : memref<2x16x64xi32, #tpu.memory_space<vmem>> -> memref<1x16x64xi32, #tpu.memory_space<vmem>>
        %dma_start3A_705 = tpu.memref_squeeze %dma_start3A_704 : memref<1x16x64xi32, #tpu.memory_space<vmem>> -> memref<16x64xi32, #tpu.memory_space<vmem>>
        %dma_start3A_706 = arith.constant 0 : i32
        %dma_start3A_707 = arith.constant 0 : i32
        %dma_start3A_708 = tpu.memref_slice %arg3[%add3A, %dma_start3A_706, %dma_start3A_707] : memref<32x160x64xi32, #tpu.memory_space<hbm>> -> memref<1x160x64xi32, #tpu.memory_space<hbm>>
        %dma_start3A_709 = tpu.memref_squeeze %dma_start3A_708 : memref<1x160x64xi32, #tpu.memory_space<hbm>> -> memref<160x64xi32, #tpu.memory_space<hbm>>
        %dma_start3A_710 = arith.constant 0 : i32
        %dma_start3A_711 = tpu.memref_slice %dma_start3A_709[%mul3A_699, %dma_start3A_710] : memref<160x64xi32, #tpu.memory_space<hbm>> -> memref<16x64xi32, #tpu.memory_space<hbm>>
        %dma_start3A_712 = arith.constant 0 : i32
        %dma_start3A_713 = arith.constant 0 : i32
        %dma_start3A_714 = tpu.memref_slice %arg6[%sub3A_701, %dma_start3A_712, %dma_start3A_713] : memref<2x16x64xi32, #tpu.memory_space<vmem>> -> memref<1x16x64xi32, #tpu.memory_space<vmem>>
        %dma_start3A_715 = tpu.memref_squeeze %dma_start3A_714 : memref<1x16x64xi32, #tpu.memory_space<vmem>> -> memref<16x64xi32, #tpu.memory_space<vmem>>
        %dma_start3A_716 = arith.constant 0 : i32
        %dma_start3A_717 = arith.constant 0 : i32
        %dma_start3A_718 = tpu.memref_slice %arg3[%add3A, %dma_start3A_716, %dma_start3A_717] : memref<32x160x64xi32, #tpu.memory_space<hbm>> -> memref<1x160x64xi32, #tpu.memory_space<hbm>>
        %dma_start3A_719 = tpu.memref_squeeze %dma_start3A_718 : memref<1x160x64xi32, #tpu.memory_space<hbm>> -> memref<160x64xi32, #tpu.memory_space<hbm>>
        %dma_start3A_720 = arith.constant 0 : i32
        %dma_start3A_721 = tpu.memref_slice %dma_start3A_719[%mul3A_699, %dma_start3A_720] : memref<160x64xi32, #tpu.memory_space<hbm>> -> memref<16x64xi32, #tpu.memory_space<hbm>>
        tpu.enqueue_dma source(%dma_start3A_721 : memref<16x64xi32, #tpu.memory_space<hbm>>) target(%dma_start3A_715 : memref<16x64xi32, #tpu.memory_space<vmem>>) target_semaphore(%arg18 : memref<!tpu.dma_semaphore, #tpu.memory_space<semaphore_mem>>)
        %add3A_722 = arith.constant 1 : i32
        %add3A_723 = arith.addi %select_n3A_259, %add3A_722 : i32
        %mul3A_724 = arith.constant 16 : i32
        %mul3A_725 = arith.muli %add3A_723, %mul3A_724 : i32
        %sub3A_726 = arith.constant 1 : i32
        %sub3A_727 = arith.subi %sub3A_726, %select_n3A_275 : i32
        %dma_start3A_728 = arith.constant 0 : i32
        %dma_start3A_729 = arith.constant 0 : i32
        %dma_start3A_730 = tpu.memref_slice %arg7[%sub3A_727, %dma_start3A_728, %dma_start3A_729] : memref<2x16x64xi32, #tpu.memory_space<vmem>> -> memref<1x16x64xi32, #tpu.memory_space<vmem>>
        %dma_start3A_731 = tpu.memref_squeeze %dma_start3A_730 : memref<1x16x64xi32, #tpu.memory_space<vmem>> -> memref<16x64xi32, #tpu.memory_space<vmem>>
        %dma_start3A_732 = arith.constant 0 : i32
        %dma_start3A_733 = arith.constant 0 : i32
        %dma_start3A_734 = tpu.memref_slice %arg4[%add3A, %dma_start3A_732, %dma_start3A_733] : memref<32x160x64xi32, #tpu.memory_space<hbm>> -> memref<1x160x64xi32, #tpu.memory_space<hbm>>
        %dma_start3A_735 = tpu.memref_squeeze %dma_start3A_734 : memref<1x160x64xi32, #tpu.memory_space<hbm>> -> memref<160x64xi32, #tpu.memory_space<hbm>>
        %dma_start3A_736 = arith.constant 0 : i32
        %dma_start3A_737 = tpu.memref_slice %dma_start3A_735[%mul3A_725, %dma_start3A_736] : memref<160x64xi32, #tpu.memory_space<hbm>> -> memref<16x64xi32, #tpu.memory_space<hbm>>
        %dma_start3A_738 = arith.constant 0 : i32
        %dma_start3A_739 = arith.constant 0 : i32
        %dma_start3A_740 = tpu.memref_slice %arg7[%sub3A_727, %dma_start3A_738, %dma_start3A_739] : memref<2x16x64xi32, #tpu.memory_space<vmem>> -> memref<1x16x64xi32, #tpu.memory_space<vmem>>
        %dma_start3A_741 = tpu.memref_squeeze %dma_start3A_740 : memref<1x16x64xi32, #tpu.memory_space<vmem>> -> memref<16x64xi32, #tpu.memory_space<vmem>>
        %dma_start3A_742 = arith.constant 0 : i32
        %dma_start3A_743 = arith.constant 0 : i32
        %dma_start3A_744 = tpu.memref_slice %arg4[%add3A, %dma_start3A_742, %dma_start3A_743] : memref<32x160x64xi32, #tpu.memory_space<hbm>> -> memref<1x160x64xi32, #tpu.memory_space<hbm>>
        %dma_start3A_745 = tpu.memref_squeeze %dma_start3A_744 : memref<1x160x64xi32, #tpu.memory_space<hbm>> -> memref<160x64xi32, #tpu.memory_space<hbm>>
        %dma_start3A_746 = arith.constant 0 : i32
        %dma_start3A_747 = tpu.memref_slice %dma_start3A_745[%mul3A_725, %dma_start3A_746] : memref<160x64xi32, #tpu.memory_space<hbm>> -> memref<16x64xi32, #tpu.memory_space<hbm>>
        tpu.enqueue_dma source(%dma_start3A_747 : memref<16x64xi32, #tpu.memory_space<hbm>>) target(%dma_start3A_741 : memref<16x64xi32, #tpu.memory_space<vmem>>) target_semaphore(%arg18 : memref<!tpu.dma_semaphore, #tpu.memory_space<semaphore_mem>>)
      } else {
      }
      %jit3A_355 = arith.constant 16 : i32
      %eq3A_356 = arith.constant 0 : i32
      %eq3A_357 = arith.cmpi eq, %jit3A_355, %eq3A_356 : i32
      %jit3A_358 = arith.constant 1 : i32
      %select_n3A_359 = arith.select %eq3A_357, %jit3A_358, %jit3A_355 : i32
      %rem3A_360 = arith.remsi %add3A_235, %select_n3A_359 : i32
      %ne3A_361 = arith.constant 0 : i32
      %ne3A_362 = arith.cmpi ne, %rem3A_360, %ne3A_361 : i32
      %lt3A_363 = arith.constant 0 : i32
      %lt3A_364 = arith.cmpi slt, %rem3A_360, %lt3A_363 : i32
      %lt3A_365 = arith.constant 0 : i32
      %lt3A_366 = arith.cmpi slt, %select_n3A_359, %lt3A_365 : i32
      %ne3A_367 = arith.xori %lt3A_364, %lt3A_366 : i1
      %and3A_368 = arith.andi %ne3A_367, %ne3A_362 : i1
      %add3A_369 = arith.addi %rem3A_360, %select_n3A_359 : i32
      %select_n3A_370 = arith.select %and3A_368, %add3A_369, %rem3A_360 : i32
      %eq3A_371 = arith.constant 12 : i32
      %eq3A_372 = arith.cmpi eq, %select_n3A_370, %eq3A_371 : i32
      %add3A_373 = arith.constant 1 : i32
      %add3A_374 = arith.addi %select_n3A_259, %add3A_373 : i32
      %lt3A_375 = arith.constant 10 : i32
      %lt3A_376 = arith.cmpi slt, %add3A_374, %lt3A_375 : i32
      %and3A_377 = arith.andi %eq3A_372, %lt3A_376 : i1
      %convert_element_type3A_378 = arith.extui %and3A_377 : i1 to i32
      %cond3A_379 = arith.constant 0 : i32
      %cond3A_380 = arith.cmpi ne, %convert_element_type3A_378, %cond3A_379 : i32
      scf.if %cond3A_380 {
        %sub3A_696 = arith.constant 1 : i32
        %sub3A_697 = arith.subi %sub3A_696, %select_n3A_275 : i32
        %dma_wait3A_698 = arith.constant 0 : i32
        %dma_wait3A_699 = arith.constant 0 : i32
        %dma_wait3A_700 = tpu.memref_slice %arg6[%sub3A_697, %dma_wait3A_698, %dma_wait3A_699] : memref<2x16x64xi32, #tpu.memory_space<vmem>> -> memref<1x16x64xi32, #tpu.memory_space<vmem>>
        %dma_wait3A_701 = tpu.memref_squeeze %dma_wait3A_700 : memref<1x16x64xi32, #tpu.memory_space<vmem>> -> memref<16x64xi32, #tpu.memory_space<vmem>>
        %dma_wait3A_702 = arith.constant 0 : i32
        %dma_wait3A_703 = arith.constant 0 : i32
        %dma_wait3A_704 = tpu.memref_slice %arg3[%add3A, %dma_wait3A_702, %dma_wait3A_703] : memref<32x160x64xi32, #tpu.memory_space<hbm>> -> memref<1x160x64xi32, #tpu.memory_space<hbm>>
        %dma_wait3A_705 = tpu.memref_squeeze %dma_wait3A_704 : memref<1x160x64xi32, #tpu.memory_space<hbm>> -> memref<160x64xi32, #tpu.memory_space<hbm>>
        %dma_wait3A_706 = arith.constant 0 : i32
        %dma_wait3A_707 = arith.constant 0 : i32
        %dma_wait3A_708 = tpu.memref_slice %dma_wait3A_705[%dma_wait3A_706, %dma_wait3A_707] : memref<160x64xi32, #tpu.memory_space<hbm>> -> memref<16x64xi32, #tpu.memory_space<hbm>>
        %dma_wait3A_709 = arith.constant 0 : i32
        %dma_wait3A_710 = arith.constant 0 : i32
        %dma_wait3A_711 = tpu.memref_slice %arg6[%sub3A_697, %dma_wait3A_709, %dma_wait3A_710] : memref<2x16x64xi32, #tpu.memory_space<vmem>> -> memref<1x16x64xi32, #tpu.memory_space<vmem>>
        %dma_wait3A_712 = tpu.memref_squeeze %dma_wait3A_711 : memref<1x16x64xi32, #tpu.memory_space<vmem>> -> memref<16x64xi32, #tpu.memory_space<vmem>>
        %dma_wait3A_713 = arith.constant 0 : i32
        %dma_wait3A_714 = arith.constant 0 : i32
        %dma_wait3A_715 = tpu.memref_slice %arg3[%add3A, %dma_wait3A_713, %dma_wait3A_714] : memref<32x160x64xi32, #tpu.memory_space<hbm>> -> memref<1x160x64xi32, #tpu.memory_space<hbm>>
        %dma_wait3A_716 = tpu.memref_squeeze %dma_wait3A_715 : memref<1x160x64xi32, #tpu.memory_space<hbm>> -> memref<160x64xi32, #tpu.memory_space<hbm>>
        %dma_wait3A_717 = arith.constant 0 : i32
        %dma_wait3A_718 = arith.constant 0 : i32
        %dma_wait3A_719 = tpu.memref_slice %dma_wait3A_716[%dma_wait3A_717, %dma_wait3A_718] : memref<160x64xi32, #tpu.memory_space<hbm>> -> memref<16x64xi32, #tpu.memory_space<hbm>>
        tpu.wait_dma2 semaphore(%arg18 : memref<!tpu.dma_semaphore, #tpu.memory_space<semaphore_mem>>) src(%dma_wait3A_719 : memref<16x64xi32, #tpu.memory_space<hbm>>) dst(%dma_wait3A_712 : memref<16x64xi32, #tpu.memory_space<vmem>>)
        %sub3A_720 = arith.constant 1 : i32
        %sub3A_721 = arith.subi %sub3A_720, %select_n3A_275 : i32
        %dma_wait3A_722 = arith.constant 0 : i32
        %dma_wait3A_723 = arith.constant 0 : i32
        %dma_wait3A_724 = tpu.memref_slice %arg7[%sub3A_721, %dma_wait3A_722, %dma_wait3A_723] : memref<2x16x64xi32, #tpu.memory_space<vmem>> -> memref<1x16x64xi32, #tpu.memory_space<vmem>>
        %dma_wait3A_725 = tpu.memref_squeeze %dma_wait3A_724 : memref<1x16x64xi32, #tpu.memory_space<vmem>> -> memref<16x64xi32, #tpu.memory_space<vmem>>
        %dma_wait3A_726 = arith.constant 0 : i32
        %dma_wait3A_727 = arith.constant 0 : i32
        %dma_wait3A_728 = tpu.memref_slice %arg4[%add3A, %dma_wait3A_726, %dma_wait3A_727] : memref<32x160x64xi32, #tpu.memory_space<hbm>> -> memref<1x160x64xi32, #tpu.memory_space<hbm>>
        %dma_wait3A_729 = tpu.memref_squeeze %dma_wait3A_728 : memref<1x160x64xi32, #tpu.memory_space<hbm>> -> memref<160x64xi32, #tpu.memory_space<hbm>>
        %dma_wait3A_730 = arith.constant 0 : i32
        %dma_wait3A_731 = arith.constant 0 : i32
        %dma_wait3A_732 = tpu.memref_slice %dma_wait3A_729[%dma_wait3A_730, %dma_wait3A_731] : memref<160x64xi32, #tpu.memory_space<hbm>> -> memref<16x64xi32, #tpu.memory_space<hbm>>
        %dma_wait3A_733 = arith.constant 0 : i32
        %dma_wait3A_734 = arith.constant 0 : i32
        %dma_wait3A_735 = tpu.memref_slice %arg7[%sub3A_721, %dma_wait3A_733, %dma_wait3A_734] : memref<2x16x64xi32, #tpu.memory_space<vmem>> -> memref<1x16x64xi32, #tpu.memory_space<vmem>>
        %dma_wait3A_736 = tpu.memref_squeeze %dma_wait3A_735 : memref<1x16x64xi32, #tpu.memory_space<vmem>> -> memref<16x64xi32, #tpu.memory_space<vmem>>
        %dma_wait3A_737 = arith.constant 0 : i32
        %dma_wait3A_738 = arith.constant 0 : i32
        %dma_wait3A_739 = tpu.memref_slice %arg4[%add3A, %dma_wait3A_737, %dma_wait3A_738] : memref<32x160x64xi32, #tpu.memory_space<hbm>> -> memref<1x160x64xi32, #tpu.memory_space<hbm>>
        %dma_wait3A_740 = tpu.memref_squeeze %dma_wait3A_739 : memref<1x160x64xi32, #tpu.memory_space<hbm>> -> memref<160x64xi32, #tpu.memory_space<hbm>>
        %dma_wait3A_741 = arith.constant 0 : i32
        %dma_wait3A_742 = arith.constant 0 : i32
        %dma_wait3A_743 = tpu.memref_slice %dma_wait3A_740[%dma_wait3A_741, %dma_wait3A_742] : memref<160x64xi32, #tpu.memory_space<hbm>> -> memref<16x64xi32, #tpu.memory_space<hbm>>
        tpu.wait_dma2 semaphore(%arg18 : memref<!tpu.dma_semaphore, #tpu.memory_space<semaphore_mem>>) src(%dma_wait3A_743 : memref<16x64xi32, #tpu.memory_space<hbm>>) dst(%dma_wait3A_736 : memref<16x64xi32, #tpu.memory_space<vmem>>)
      } else {
      }
      %add3A_381 = arith.constant 3 : i32
      %add3A_382 = arith.addi %add3A_235, %add3A_381 : i32
      %lt3A_383 = arith.constant 160 : i32
      %lt3A_384 = arith.cmpi slt, %add3A_382, %lt3A_383 : i32
      %convert_element_type3A_385 = arith.extui %lt3A_384 : i1 to i32
      %cond3A_386 = arith.constant 0 : i32
      %cond3A_387 = arith.cmpi ne, %convert_element_type3A_385, %cond3A_386 : i32
      scf.if %cond3A_387 {
        %add3A_696 = arith.constant 3 : i32
        %add3A_697 = arith.addi %add3A_235, %add3A_696 : i32
        %jit3A_698 = arith.constant 16 : i32
        %div3A_699 = arith.divsi %add3A_697, %jit3A_698 : i32
        %sign3A_700 = arith.constant 0 : i32
        %sign3A_701 = arith.cmpi sgt, %add3A_697, %sign3A_700 : i32
        %sign3A_702 = arith.extui %sign3A_701 : i1 to i32
        %sign3A_703 = arith.constant 0 : i32
        %sign3A_704 = arith.cmpi slt, %add3A_697, %sign3A_703 : i32
        %sign3A_705 = arith.extui %sign3A_704 : i1 to i32
        %sign3A_706 = arith.subi %sign3A_702, %sign3A_705 : i32
        %sign3A_707 = arith.constant 0 : i32
        %sign3A_708 = arith.cmpi sgt, %jit3A_698, %sign3A_707 : i32
        %sign3A_709 = arith.extui %sign3A_708 : i1 to i32
        %sign3A_710 = arith.constant 0 : i32
        %sign3A_711 = arith.cmpi slt, %jit3A_698, %sign3A_710 : i32
        %sign3A_712 = arith.extui %sign3A_711 : i1 to i32
        %sign3A_713 = arith.subi %sign3A_709, %sign3A_712 : i32
        %ne3A_714 = arith.cmpi ne, %sign3A_706, %sign3A_713 : i32
        %rem3A_715 = arith.remsi %add3A_697, %jit3A_698 : i32
        %ne3A_716 = arith.constant 0 : i32
        %ne3A_717 = arith.cmpi ne, %rem3A_715, %ne3A_716 : i32
        %and3A_718 = arith.andi %ne3A_714, %ne3A_717 : i1
        %sub3A_719 = arith.constant 1 : i32
        %sub3A_720 = arith.subi %div3A_699, %sub3A_719 : i32
        %select_n3A_721 = arith.select %and3A_718, %sub3A_720, %div3A_699 : i32
        %jit3A_722 = arith.constant 2 : i32
        %eq3A_723 = arith.constant 0 : i32
        %eq3A_724 = arith.cmpi eq, %jit3A_722, %eq3A_723 : i32
        %jit3A_725 = arith.constant 1 : i32
        %select_n3A_726 = arith.select %eq3A_724, %jit3A_725, %jit3A_722 : i32
        %rem3A_727 = arith.remsi %select_n3A_721, %select_n3A_726 : i32
        %ne3A_728 = arith.constant 0 : i32
        %ne3A_729 = arith.cmpi ne, %rem3A_727, %ne3A_728 : i32
        %lt3A_730 = arith.constant 0 : i32
        %lt3A_731 = arith.cmpi slt, %rem3A_727, %lt3A_730 : i32
        %lt3A_732 = arith.constant 0 : i32
        %lt3A_733 = arith.cmpi slt, %select_n3A_726, %lt3A_732 : i32
        %ne3A_734 = arith.xori %lt3A_731, %lt3A_733 : i1
        %and3A_735 = arith.andi %ne3A_734, %ne3A_729 : i1
        %add3A_736 = arith.addi %rem3A_727, %select_n3A_726 : i32
        %select_n3A_737 = arith.select %and3A_735, %add3A_736, %rem3A_727 : i32
        %jit3A_738 = arith.constant 16 : i32
        %eq3A_739 = arith.constant 0 : i32
        %eq3A_740 = arith.cmpi eq, %jit3A_738, %eq3A_739 : i32
        %jit3A_741 = arith.constant 1 : i32
        %select_n3A_742 = arith.select %eq3A_740, %jit3A_741, %jit3A_738 : i32
        %rem3A_743 = arith.remsi %add3A_697, %select_n3A_742 : i32
        %ne3A_744 = arith.constant 0 : i32
        %ne3A_745 = arith.cmpi ne, %rem3A_743, %ne3A_744 : i32
        %lt3A_746 = arith.constant 0 : i32
        %lt3A_747 = arith.cmpi slt, %rem3A_743, %lt3A_746 : i32
        %lt3A_748 = arith.constant 0 : i32
        %lt3A_749 = arith.cmpi slt, %select_n3A_742, %lt3A_748 : i32
        %ne3A_750 = arith.xori %lt3A_747, %lt3A_749 : i1
        %and3A_751 = arith.andi %ne3A_750, %ne3A_745 : i1
        %add3A_752 = arith.addi %rem3A_743, %select_n3A_742 : i32
        %select_n3A_753 = arith.select %and3A_751, %add3A_752, %rem3A_743 : i32
        %dma_start3A_754 = arith.constant 0 : i32
        %dma_start3A_755 = arith.constant 0 : i32
        %dma_start3A_756 = arith.constant 0 : i32
        %dma_start3A_757 = tpu.memref_slice %arg8[%dma_start3A_754, %dma_start3A_755, %dma_start3A_756] : memref<4x64x128xf32, #tpu.memory_space<vmem>> -> memref<1x64x128xf32, #tpu.memory_space<vmem>>
        %dma_start3A_758 = tpu.memref_squeeze %dma_start3A_757 : memref<1x64x128xf32, #tpu.memory_space<vmem>> -> memref<64x128xf32, #tpu.memory_space<vmem>>
        %dma_start3A_759 = arith.constant 0 : i32
        %dma_start3A_760 = arith.constant 0 : i32
        %dma_start3A_761 = tpu.memref_slice %arg7[%select_n3A_737, %dma_start3A_759, %dma_start3A_760] : memref<2x16x64xi32, #tpu.memory_space<vmem>> -> memref<1x16x64xi32, #tpu.memory_space<vmem>>
        %dma_start3A_762 = tpu.memref_squeeze %dma_start3A_761 : memref<1x16x64xi32, #tpu.memory_space<vmem>> -> memref<16x64xi32, #tpu.memory_space<vmem>>
        %dma_start3A_763 = arith.constant 0 : i32
        %dma_start3A_764 = tpu.memref_slice %dma_start3A_762[%select_n3A_753, %dma_start3A_763] : memref<16x64xi32, #tpu.memory_space<vmem>> -> memref<1x64xi32, #tpu.memory_space<vmem>>
        %dma_start3A_765 = tpu.memref_squeeze %dma_start3A_764 : memref<1x64xi32, #tpu.memory_space<vmem>> -> memref<64xi32, #tpu.memory_space<vmem>>
        %dma_start3A_766 = arith.constant 0 : i32
        %dma_start3A_767 = arith.constant 0 : i32
        %dma_start3A_768 = tpu.memref_slice %arg2[%dma_start3A_766, %dma_start3A_767] : memref<10000x128xf32, #tpu.memory_space<hbm>> -> memref<10000x128xf32, #tpu.memory_space<hbm>>
        tpu.enqueue_indirect_dma source(%dma_start3A_768 : memref<10000x128xf32, #tpu.memory_space<hbm>>) target(%dma_start3A_758 : memref<64x128xf32, #tpu.memory_space<vmem>>) offsets(%dma_start3A_765 : memref<64xi32, #tpu.memory_space<vmem>>) semaphore(%arg10 : memref<!tpu.dma_semaphore, #tpu.memory_space<semaphore_mem>>)
      } else {
      }
      %add3A_388 = arith.constant 2 : i32
      %add3A_389 = arith.addi %add3A_92, %add3A_388 : i32
      %jit3A_390 = arith.constant 16 : i32
      %div3A_391 = arith.divsi %add3A_389, %jit3A_390 : i32
      %sign3A_392 = arith.constant 0 : i32
      %sign3A_393 = arith.cmpi sgt, %add3A_389, %sign3A_392 : i32
      %sign3A_394 = arith.extui %sign3A_393 : i1 to i32
      %sign3A_395 = arith.constant 0 : i32
      %sign3A_396 = arith.cmpi slt, %add3A_389, %sign3A_395 : i32
      %sign3A_397 = arith.extui %sign3A_396 : i1 to i32
      %sign3A_398 = arith.subi %sign3A_394, %sign3A_397 : i32
      %sign3A_399 = arith.constant 0 : i32
      %sign3A_400 = arith.cmpi sgt, %jit3A_390, %sign3A_399 : i32
      %sign3A_401 = arith.extui %sign3A_400 : i1 to i32
      %sign3A_402 = arith.constant 0 : i32
      %sign3A_403 = arith.cmpi slt, %jit3A_390, %sign3A_402 : i32
      %sign3A_404 = arith.extui %sign3A_403 : i1 to i32
      %sign3A_405 = arith.subi %sign3A_401, %sign3A_404 : i32
      %ne3A_406 = arith.cmpi ne, %sign3A_398, %sign3A_405 : i32
      %rem3A_407 = arith.remsi %add3A_389, %jit3A_390 : i32
      %ne3A_408 = arith.constant 0 : i32
      %ne3A_409 = arith.cmpi ne, %rem3A_407, %ne3A_408 : i32
      %and3A_410 = arith.andi %ne3A_406, %ne3A_409 : i1
      %sub3A_411 = arith.constant 1 : i32
      %sub3A_412 = arith.subi %div3A_391, %sub3A_411 : i32
      %select_n3A_413 = arith.select %and3A_410, %sub3A_412, %div3A_391 : i32
      %jit3A_414 = arith.constant 2 : i32
      %eq3A_415 = arith.constant 0 : i32
      %eq3A_416 = arith.cmpi eq, %jit3A_414, %eq3A_415 : i32
      %jit3A_417 = arith.constant 1 : i32
      %select_n3A_418 = arith.select %eq3A_416, %jit3A_417, %jit3A_414 : i32
      %rem3A_419 = arith.remsi %select_n3A_413, %select_n3A_418 : i32
      %ne3A_420 = arith.constant 0 : i32
      %ne3A_421 = arith.cmpi ne, %rem3A_419, %ne3A_420 : i32
      %lt3A_422 = arith.constant 0 : i32
      %lt3A_423 = arith.cmpi slt, %rem3A_419, %lt3A_422 : i32
      %lt3A_424 = arith.constant 0 : i32
      %lt3A_425 = arith.cmpi slt, %select_n3A_418, %lt3A_424 : i32
      %ne3A_426 = arith.xori %lt3A_423, %lt3A_425 : i1
      %and3A_427 = arith.andi %ne3A_426, %ne3A_421 : i1
      %add3A_428 = arith.addi %rem3A_419, %select_n3A_418 : i32
      %select_n3A_429 = arith.select %and3A_427, %add3A_428, %rem3A_419 : i32
      %dma_wait3A_430 = arith.constant 0 : i32
      %dma_wait3A_431 = arith.constant 0 : i32
      %dma_wait3A_432 = arith.constant 2 : i32
      %dma_wait3A_433 = arith.constant 0 : i32
      %dma_wait3A_434 = arith.constant 0 : i32
      %dma_wait3A_435 = tpu.memref_slice %arg8[%dma_wait3A_432, %dma_wait3A_433, %dma_wait3A_434] : memref<4x64x128xf32, #tpu.memory_space<vmem>> -> memref<1x64x128xf32, #tpu.memory_space<vmem>>
      %dma_wait3A_436 = tpu.memref_squeeze %dma_wait3A_435 : memref<1x64x128xf32, #tpu.memory_space<vmem>> -> memref<64x128xf32, #tpu.memory_space<vmem>>
      %dma_wait3A_437 = arith.constant 0 : i32
      %dma_wait3A_438 = arith.constant 0 : i32
      %dma_wait3A_439 = tpu.memref_slice %arg7[%dma_wait3A_430, %dma_wait3A_437, %dma_wait3A_438] : memref<2x16x64xi32, #tpu.memory_space<vmem>> -> memref<1x16x64xi32, #tpu.memory_space<vmem>>
      %dma_wait3A_440 = tpu.memref_squeeze %dma_wait3A_439 : memref<1x16x64xi32, #tpu.memory_space<vmem>> -> memref<16x64xi32, #tpu.memory_space<vmem>>
      %dma_wait3A_441 = arith.constant 0 : i32
      %dma_wait3A_442 = tpu.memref_slice %dma_wait3A_440[%dma_wait3A_431, %dma_wait3A_441] : memref<16x64xi32, #tpu.memory_space<vmem>> -> memref<1x64xi32, #tpu.memory_space<vmem>>
      %dma_wait3A_443 = tpu.memref_squeeze %dma_wait3A_442 : memref<1x64xi32, #tpu.memory_space<vmem>> -> memref<64xi32, #tpu.memory_space<vmem>>
      %dma_wait3A_444 = arith.constant 0 : i32
      %dma_wait3A_445 = arith.constant 0 : i32
      %dma_wait3A_446 = tpu.memref_slice %arg2[%dma_wait3A_444, %dma_wait3A_445] : memref<10000x128xf32, #tpu.memory_space<hbm>> -> memref<10000x128xf32, #tpu.memory_space<hbm>>
      tpu.wait_indirect_dma semaphore(%arg12 : memref<!tpu.dma_semaphore, #tpu.memory_space<semaphore_mem>>) src(%dma_wait3A_446 : memref<10000x128xf32, #tpu.memory_space<hbm>>) dst(%dma_wait3A_436 : memref<64x128xf32, #tpu.memory_space<vmem>>)
      %ge3A_447 = arith.constant 1 : i32
      %ge3A_448 = arith.cmpi sge, %add3A_389, %ge3A_447 : i32
      %convert_element_type3A_449 = arith.extui %ge3A_448 : i1 to i32
      %cond3A_450 = arith.constant 0 : i32
      %cond3A_451 = arith.cmpi ne, %convert_element_type3A_449, %cond3A_450 : i32
      scf.if %cond3A_451 {
        %dma_wait3A_696 = arith.constant 1 : i32
        %dma_wait3A_697 = arith.constant 0 : i32
        %dma_wait3A_698 = arith.constant 0 : i32
        %dma_wait3A_699 = arith.constant 0 : i32
        %dma_wait3A_700 = arith.constant 0 : i32
        %dma_wait3A_701 = tpu.memref_slice %arg8[%dma_wait3A_696, %dma_wait3A_699, %dma_wait3A_700] : memref<4x64x128xf32, #tpu.memory_space<vmem>> -> memref<1x64x128xf32, #tpu.memory_space<vmem>>
        %dma_wait3A_702 = tpu.memref_squeeze %dma_wait3A_701 : memref<1x64x128xf32, #tpu.memory_space<vmem>> -> memref<64x128xf32, #tpu.memory_space<vmem>>
        %dma_wait3A_703 = arith.constant 0 : i32
        %dma_wait3A_704 = arith.constant 0 : i32
        %dma_wait3A_705 = tpu.memref_slice %arg6[%dma_wait3A_697, %dma_wait3A_703, %dma_wait3A_704] : memref<2x16x64xi32, #tpu.memory_space<vmem>> -> memref<1x16x64xi32, #tpu.memory_space<vmem>>
        %dma_wait3A_706 = tpu.memref_squeeze %dma_wait3A_705 : memref<1x16x64xi32, #tpu.memory_space<vmem>> -> memref<16x64xi32, #tpu.memory_space<vmem>>
        %dma_wait3A_707 = arith.constant 0 : i32
        %dma_wait3A_708 = tpu.memref_slice %dma_wait3A_706[%dma_wait3A_698, %dma_wait3A_707] : memref<16x64xi32, #tpu.memory_space<vmem>> -> memref<1x64xi32, #tpu.memory_space<vmem>>
        %dma_wait3A_709 = tpu.memref_squeeze %dma_wait3A_708 : memref<1x64xi32, #tpu.memory_space<vmem>> -> memref<64xi32, #tpu.memory_space<vmem>>
        %dma_wait3A_710 = arith.constant 0 : i32
        %dma_wait3A_711 = arith.constant 0 : i32
        %dma_wait3A_712 = tpu.memref_slice %arg9[%dma_wait3A_710, %dma_wait3A_711] : memref<10240x128xf32, #tpu.memory_space<vmem_shared>> -> memref<10240x128xf32, #tpu.memory_space<vmem_shared>>
        tpu.wait_indirect_dma semaphore(%arg15 : memref<!tpu.dma_semaphore, #tpu.memory_space<semaphore_mem>>) src(%dma_wait3A_702 : memref<64x128xf32, #tpu.memory_space<vmem>>) dst(%dma_wait3A_712 : memref<10240x128xf32, #tpu.memory_space<vmem_shared>>)
      } else {
      }
      %jit3A_452 = arith.constant 16 : i32
      %eq3A_453 = arith.constant 0 : i32
      %eq3A_454 = arith.cmpi eq, %jit3A_452, %eq3A_453 : i32
      %jit3A_455 = arith.constant 1 : i32
      %select_n3A_456 = arith.select %eq3A_454, %jit3A_455, %jit3A_452 : i32
      %rem3A_457 = arith.remsi %add3A_389, %select_n3A_456 : i32
      %ne3A_458 = arith.constant 0 : i32
      %ne3A_459 = arith.cmpi ne, %rem3A_457, %ne3A_458 : i32
      %lt3A_460 = arith.constant 0 : i32
      %lt3A_461 = arith.cmpi slt, %rem3A_457, %lt3A_460 : i32
      %lt3A_462 = arith.constant 0 : i32
      %lt3A_463 = arith.cmpi slt, %select_n3A_456, %lt3A_462 : i32
      %ne3A_464 = arith.xori %lt3A_461, %lt3A_463 : i1
      %and3A_465 = arith.andi %ne3A_464, %ne3A_459 : i1
      %add3A_466 = arith.addi %rem3A_457, %select_n3A_456 : i32
      %select_n3A_467 = arith.select %and3A_465, %add3A_466, %rem3A_457 : i32
      %dma_start3A_468 = arith.constant 2 : i32
      %dma_start3A_469 = arith.constant 0 : i32
      %dma_start3A_470 = arith.constant 0 : i32
      %dma_start3A_471 = tpu.memref_slice %arg8[%dma_start3A_468, %dma_start3A_469, %dma_start3A_470] : memref<4x64x128xf32, #tpu.memory_space<vmem>> -> memref<1x64x128xf32, #tpu.memory_space<vmem>>
      %dma_start3A_472 = tpu.memref_squeeze %dma_start3A_471 : memref<1x64x128xf32, #tpu.memory_space<vmem>> -> memref<64x128xf32, #tpu.memory_space<vmem>>
      %dma_start3A_473 = arith.constant 0 : i32
      %dma_start3A_474 = arith.constant 0 : i32
      %dma_start3A_475 = tpu.memref_slice %arg6[%select_n3A_429, %dma_start3A_473, %dma_start3A_474] : memref<2x16x64xi32, #tpu.memory_space<vmem>> -> memref<1x16x64xi32, #tpu.memory_space<vmem>>
      %dma_start3A_476 = tpu.memref_squeeze %dma_start3A_475 : memref<1x16x64xi32, #tpu.memory_space<vmem>> -> memref<16x64xi32, #tpu.memory_space<vmem>>
      %dma_start3A_477 = arith.constant 0 : i32
      %dma_start3A_478 = tpu.memref_slice %dma_start3A_476[%select_n3A_467, %dma_start3A_477] : memref<16x64xi32, #tpu.memory_space<vmem>> -> memref<1x64xi32, #tpu.memory_space<vmem>>
      %dma_start3A_479 = tpu.memref_squeeze %dma_start3A_478 : memref<1x64xi32, #tpu.memory_space<vmem>> -> memref<64xi32, #tpu.memory_space<vmem>>
      %dma_start3A_480 = arith.constant 0 : i32
      %dma_start3A_481 = arith.constant 0 : i32
      %dma_start3A_482 = tpu.memref_slice %arg9[%dma_start3A_480, %dma_start3A_481] : memref<10240x128xf32, #tpu.memory_space<vmem_shared>> -> memref<10240x128xf32, #tpu.memory_space<vmem_shared>>
      tpu.enqueue_indirect_dma source(%dma_start3A_472 : memref<64x128xf32, #tpu.memory_space<vmem>>) target(%dma_start3A_482 : memref<10240x128xf32, #tpu.memory_space<vmem_shared>>) offsets(%dma_start3A_479 : memref<64xi32, #tpu.memory_space<vmem>>) semaphore(%arg16 : memref<!tpu.dma_semaphore, #tpu.memory_space<semaphore_mem>>) {add = true}
      %jit3A_483 = arith.constant 16 : i32
      %eq3A_484 = arith.constant 0 : i32
      %eq3A_485 = arith.cmpi eq, %jit3A_483, %eq3A_484 : i32
      %jit3A_486 = arith.constant 1 : i32
      %select_n3A_487 = arith.select %eq3A_485, %jit3A_486, %jit3A_483 : i32
      %rem3A_488 = arith.remsi %add3A_389, %select_n3A_487 : i32
      %ne3A_489 = arith.constant 0 : i32
      %ne3A_490 = arith.cmpi ne, %rem3A_488, %ne3A_489 : i32
      %lt3A_491 = arith.constant 0 : i32
      %lt3A_492 = arith.cmpi slt, %rem3A_488, %lt3A_491 : i32
      %lt3A_493 = arith.constant 0 : i32
      %lt3A_494 = arith.cmpi slt, %select_n3A_487, %lt3A_493 : i32
      %ne3A_495 = arith.xori %lt3A_492, %lt3A_494 : i1
      %and3A_496 = arith.andi %ne3A_495, %ne3A_490 : i1
      %add3A_497 = arith.addi %rem3A_488, %select_n3A_487 : i32
      %select_n3A_498 = arith.select %and3A_496, %add3A_497, %rem3A_488 : i32
      %eq3A_499 = arith.constant 2 : i32
      %eq3A_500 = arith.cmpi eq, %select_n3A_498, %eq3A_499 : i32
      %add3A_501 = arith.constant 1 : i32
      %add3A_502 = arith.addi %select_n3A_413, %add3A_501 : i32
      %lt3A_503 = arith.constant 10 : i32
      %lt3A_504 = arith.cmpi slt, %add3A_502, %lt3A_503 : i32
      %and3A_505 = arith.andi %eq3A_500, %lt3A_504 : i1
      %convert_element_type3A_506 = arith.extui %and3A_505 : i1 to i32
      %cond3A_507 = arith.constant 0 : i32
      %cond3A_508 = arith.cmpi ne, %convert_element_type3A_506, %cond3A_507 : i32
      scf.if %cond3A_508 {
        %add3A_696 = arith.constant 1 : i32
        %add3A_697 = arith.addi %select_n3A_413, %add3A_696 : i32
        %mul3A_698 = arith.constant 16 : i32
        %mul3A_699 = arith.muli %add3A_697, %mul3A_698 : i32
        %sub3A_700 = arith.constant 1 : i32
        %sub3A_701 = arith.subi %sub3A_700, %select_n3A_429 : i32
        %dma_start3A_702 = arith.constant 0 : i32
        %dma_start3A_703 = arith.constant 0 : i32
        %dma_start3A_704 = tpu.memref_slice %arg6[%sub3A_701, %dma_start3A_702, %dma_start3A_703] : memref<2x16x64xi32, #tpu.memory_space<vmem>> -> memref<1x16x64xi32, #tpu.memory_space<vmem>>
        %dma_start3A_705 = tpu.memref_squeeze %dma_start3A_704 : memref<1x16x64xi32, #tpu.memory_space<vmem>> -> memref<16x64xi32, #tpu.memory_space<vmem>>
        %dma_start3A_706 = arith.constant 0 : i32
        %dma_start3A_707 = arith.constant 0 : i32
        %dma_start3A_708 = tpu.memref_slice %arg3[%add3A, %dma_start3A_706, %dma_start3A_707] : memref<32x160x64xi32, #tpu.memory_space<hbm>> -> memref<1x160x64xi32, #tpu.memory_space<hbm>>
        %dma_start3A_709 = tpu.memref_squeeze %dma_start3A_708 : memref<1x160x64xi32, #tpu.memory_space<hbm>> -> memref<160x64xi32, #tpu.memory_space<hbm>>
        %dma_start3A_710 = arith.constant 0 : i32
        %dma_start3A_711 = tpu.memref_slice %dma_start3A_709[%mul3A_699, %dma_start3A_710] : memref<160x64xi32, #tpu.memory_space<hbm>> -> memref<16x64xi32, #tpu.memory_space<hbm>>
        %dma_start3A_712 = arith.constant 0 : i32
        %dma_start3A_713 = arith.constant 0 : i32
        %dma_start3A_714 = tpu.memref_slice %arg6[%sub3A_701, %dma_start3A_712, %dma_start3A_713] : memref<2x16x64xi32, #tpu.memory_space<vmem>> -> memref<1x16x64xi32, #tpu.memory_space<vmem>>
        %dma_start3A_715 = tpu.memref_squeeze %dma_start3A_714 : memref<1x16x64xi32, #tpu.memory_space<vmem>> -> memref<16x64xi32, #tpu.memory_space<vmem>>
        %dma_start3A_716 = arith.constant 0 : i32
        %dma_start3A_717 = arith.constant 0 : i32
        %dma_start3A_718 = tpu.memref_slice %arg3[%add3A, %dma_start3A_716, %dma_start3A_717] : memref<32x160x64xi32, #tpu.memory_space<hbm>> -> memref<1x160x64xi32, #tpu.memory_space<hbm>>
        %dma_start3A_719 = tpu.memref_squeeze %dma_start3A_718 : memref<1x160x64xi32, #tpu.memory_space<hbm>> -> memref<160x64xi32, #tpu.memory_space<hbm>>
        %dma_start3A_720 = arith.constant 0 : i32
        %dma_start3A_721 = tpu.memref_slice %dma_start3A_719[%mul3A_699, %dma_start3A_720] : memref<160x64xi32, #tpu.memory_space<hbm>> -> memref<16x64xi32, #tpu.memory_space<hbm>>
        tpu.enqueue_dma source(%dma_start3A_721 : memref<16x64xi32, #tpu.memory_space<hbm>>) target(%dma_start3A_715 : memref<16x64xi32, #tpu.memory_space<vmem>>) target_semaphore(%arg18 : memref<!tpu.dma_semaphore, #tpu.memory_space<semaphore_mem>>)
        %add3A_722 = arith.constant 1 : i32
        %add3A_723 = arith.addi %select_n3A_413, %add3A_722 : i32
        %mul3A_724 = arith.constant 16 : i32
        %mul3A_725 = arith.muli %add3A_723, %mul3A_724 : i32
        %sub3A_726 = arith.constant 1 : i32
        %sub3A_727 = arith.subi %sub3A_726, %select_n3A_429 : i32
        %dma_start3A_728 = arith.constant 0 : i32
        %dma_start3A_729 = arith.constant 0 : i32
        %dma_start3A_730 = tpu.memref_slice %arg7[%sub3A_727, %dma_start3A_728, %dma_start3A_729] : memref<2x16x64xi32, #tpu.memory_space<vmem>> -> memref<1x16x64xi32, #tpu.memory_space<vmem>>
        %dma_start3A_731 = tpu.memref_squeeze %dma_start3A_730 : memref<1x16x64xi32, #tpu.memory_space<vmem>> -> memref<16x64xi32, #tpu.memory_space<vmem>>
        %dma_start3A_732 = arith.constant 0 : i32
        %dma_start3A_733 = arith.constant 0 : i32
        %dma_start3A_734 = tpu.memref_slice %arg4[%add3A, %dma_start3A_732, %dma_start3A_733] : memref<32x160x64xi32, #tpu.memory_space<hbm>> -> memref<1x160x64xi32, #tpu.memory_space<hbm>>
        %dma_start3A_735 = tpu.memref_squeeze %dma_start3A_734 : memref<1x160x64xi32, #tpu.memory_space<hbm>> -> memref<160x64xi32, #tpu.memory_space<hbm>>
        %dma_start3A_736 = arith.constant 0 : i32
        %dma_start3A_737 = tpu.memref_slice %dma_start3A_735[%mul3A_725, %dma_start3A_736] : memref<160x64xi32, #tpu.memory_space<hbm>> -> memref<16x64xi32, #tpu.memory_space<hbm>>
        %dma_start3A_738 = arith.constant 0 : i32
        %dma_start3A_739 = arith.constant 0 : i32
        %dma_start3A_740 = tpu.memref_slice %arg7[%sub3A_727, %dma_start3A_738, %dma_start3A_739] : memref<2x16x64xi32, #tpu.memory_space<vmem>> -> memref<1x16x64xi32, #tpu.memory_space<vmem>>
        %dma_start3A_741 = tpu.memref_squeeze %dma_start3A_740 : memref<1x16x64xi32, #tpu.memory_space<vmem>> -> memref<16x64xi32, #tpu.memory_space<vmem>>
        %dma_start3A_742 = arith.constant 0 : i32
        %dma_start3A_743 = arith.constant 0 : i32
        %dma_start3A_744 = tpu.memref_slice %arg4[%add3A, %dma_start3A_742, %dma_start3A_743] : memref<32x160x64xi32, #tpu.memory_space<hbm>> -> memref<1x160x64xi32, #tpu.memory_space<hbm>>
        %dma_start3A_745 = tpu.memref_squeeze %dma_start3A_744 : memref<1x160x64xi32, #tpu.memory_space<hbm>> -> memref<160x64xi32, #tpu.memory_space<hbm>>
        %dma_start3A_746 = arith.constant 0 : i32
        %dma_start3A_747 = tpu.memref_slice %dma_start3A_745[%mul3A_725, %dma_start3A_746] : memref<160x64xi32, #tpu.memory_space<hbm>> -> memref<16x64xi32, #tpu.memory_space<hbm>>
        tpu.enqueue_dma source(%dma_start3A_747 : memref<16x64xi32, #tpu.memory_space<hbm>>) target(%dma_start3A_741 : memref<16x64xi32, #tpu.memory_space<vmem>>) target_semaphore(%arg18 : memref<!tpu.dma_semaphore, #tpu.memory_space<semaphore_mem>>)
      } else {
      }
      %jit3A_509 = arith.constant 16 : i32
      %eq3A_510 = arith.constant 0 : i32
      %eq3A_511 = arith.cmpi eq, %jit3A_509, %eq3A_510 : i32
      %jit3A_512 = arith.constant 1 : i32
      %select_n3A_513 = arith.select %eq3A_511, %jit3A_512, %jit3A_509 : i32
      %rem3A_514 = arith.remsi %add3A_389, %select_n3A_513 : i32
      %ne3A_515 = arith.constant 0 : i32
      %ne3A_516 = arith.cmpi ne, %rem3A_514, %ne3A_515 : i32
      %lt3A_517 = arith.constant 0 : i32
      %lt3A_518 = arith.cmpi slt, %rem3A_514, %lt3A_517 : i32
      %lt3A_519 = arith.constant 0 : i32
      %lt3A_520 = arith.cmpi slt, %select_n3A_513, %lt3A_519 : i32
      %ne3A_521 = arith.xori %lt3A_518, %lt3A_520 : i1
      %and3A_522 = arith.andi %ne3A_521, %ne3A_516 : i1
      %add3A_523 = arith.addi %rem3A_514, %select_n3A_513 : i32
      %select_n3A_524 = arith.select %and3A_522, %add3A_523, %rem3A_514 : i32
      %eq3A_525 = arith.constant 12 : i32
      %eq3A_526 = arith.cmpi eq, %select_n3A_524, %eq3A_525 : i32
      %add3A_527 = arith.constant 1 : i32
      %add3A_528 = arith.addi %select_n3A_413, %add3A_527 : i32
      %lt3A_529 = arith.constant 10 : i32
      %lt3A_530 = arith.cmpi slt, %add3A_528, %lt3A_529 : i32
      %and3A_531 = arith.andi %eq3A_526, %lt3A_530 : i1
      %convert_element_type3A_532 = arith.extui %and3A_531 : i1 to i32
      %cond3A_533 = arith.constant 0 : i32
      %cond3A_534 = arith.cmpi ne, %convert_element_type3A_532, %cond3A_533 : i32
      scf.if %cond3A_534 {
        %sub3A_696 = arith.constant 1 : i32
        %sub3A_697 = arith.subi %sub3A_696, %select_n3A_429 : i32
        %dma_wait3A_698 = arith.constant 0 : i32
        %dma_wait3A_699 = arith.constant 0 : i32
        %dma_wait3A_700 = tpu.memref_slice %arg6[%sub3A_697, %dma_wait3A_698, %dma_wait3A_699] : memref<2x16x64xi32, #tpu.memory_space<vmem>> -> memref<1x16x64xi32, #tpu.memory_space<vmem>>
        %dma_wait3A_701 = tpu.memref_squeeze %dma_wait3A_700 : memref<1x16x64xi32, #tpu.memory_space<vmem>> -> memref<16x64xi32, #tpu.memory_space<vmem>>
        %dma_wait3A_702 = arith.constant 0 : i32
        %dma_wait3A_703 = arith.constant 0 : i32
        %dma_wait3A_704 = tpu.memref_slice %arg3[%add3A, %dma_wait3A_702, %dma_wait3A_703] : memref<32x160x64xi32, #tpu.memory_space<hbm>> -> memref<1x160x64xi32, #tpu.memory_space<hbm>>
        %dma_wait3A_705 = tpu.memref_squeeze %dma_wait3A_704 : memref<1x160x64xi32, #tpu.memory_space<hbm>> -> memref<160x64xi32, #tpu.memory_space<hbm>>
        %dma_wait3A_706 = arith.constant 0 : i32
        %dma_wait3A_707 = arith.constant 0 : i32
        %dma_wait3A_708 = tpu.memref_slice %dma_wait3A_705[%dma_wait3A_706, %dma_wait3A_707] : memref<160x64xi32, #tpu.memory_space<hbm>> -> memref<16x64xi32, #tpu.memory_space<hbm>>
        %dma_wait3A_709 = arith.constant 0 : i32
        %dma_wait3A_710 = arith.constant 0 : i32
        %dma_wait3A_711 = tpu.memref_slice %arg6[%sub3A_697, %dma_wait3A_709, %dma_wait3A_710] : memref<2x16x64xi32, #tpu.memory_space<vmem>> -> memref<1x16x64xi32, #tpu.memory_space<vmem>>
        %dma_wait3A_712 = tpu.memref_squeeze %dma_wait3A_711 : memref<1x16x64xi32, #tpu.memory_space<vmem>> -> memref<16x64xi32, #tpu.memory_space<vmem>>
        %dma_wait3A_713 = arith.constant 0 : i32
        %dma_wait3A_714 = arith.constant 0 : i32
        %dma_wait3A_715 = tpu.memref_slice %arg3[%add3A, %dma_wait3A_713, %dma_wait3A_714] : memref<32x160x64xi32, #tpu.memory_space<hbm>> -> memref<1x160x64xi32, #tpu.memory_space<hbm>>
        %dma_wait3A_716 = tpu.memref_squeeze %dma_wait3A_715 : memref<1x160x64xi32, #tpu.memory_space<hbm>> -> memref<160x64xi32, #tpu.memory_space<hbm>>
        %dma_wait3A_717 = arith.constant 0 : i32
        %dma_wait3A_718 = arith.constant 0 : i32
        %dma_wait3A_719 = tpu.memref_slice %dma_wait3A_716[%dma_wait3A_717, %dma_wait3A_718] : memref<160x64xi32, #tpu.memory_space<hbm>> -> memref<16x64xi32, #tpu.memory_space<hbm>>
        tpu.wait_dma2 semaphore(%arg18 : memref<!tpu.dma_semaphore, #tpu.memory_space<semaphore_mem>>) src(%dma_wait3A_719 : memref<16x64xi32, #tpu.memory_space<hbm>>) dst(%dma_wait3A_712 : memref<16x64xi32, #tpu.memory_space<vmem>>)
        %sub3A_720 = arith.constant 1 : i32
        %sub3A_721 = arith.subi %sub3A_720, %select_n3A_429 : i32
        %dma_wait3A_722 = arith.constant 0 : i32
        %dma_wait3A_723 = arith.constant 0 : i32
        %dma_wait3A_724 = tpu.memref_slice %arg7[%sub3A_721, %dma_wait3A_722, %dma_wait3A_723] : memref<2x16x64xi32, #tpu.memory_space<vmem>> -> memref<1x16x64xi32, #tpu.memory_space<vmem>>
        %dma_wait3A_725 = tpu.memref_squeeze %dma_wait3A_724 : memref<1x16x64xi32, #tpu.memory_space<vmem>> -> memref<16x64xi32, #tpu.memory_space<vmem>>
        %dma_wait3A_726 = arith.constant 0 : i32
        %dma_wait3A_727 = arith.constant 0 : i32
        %dma_wait3A_728 = tpu.memref_slice %arg4[%add3A, %dma_wait3A_726, %dma_wait3A_727] : memref<32x160x64xi32, #tpu.memory_space<hbm>> -> memref<1x160x64xi32, #tpu.memory_space<hbm>>
        %dma_wait3A_729 = tpu.memref_squeeze %dma_wait3A_728 : memref<1x160x64xi32, #tpu.memory_space<hbm>> -> memref<160x64xi32, #tpu.memory_space<hbm>>
        %dma_wait3A_730 = arith.constant 0 : i32
        %dma_wait3A_731 = arith.constant 0 : i32
        %dma_wait3A_732 = tpu.memref_slice %dma_wait3A_729[%dma_wait3A_730, %dma_wait3A_731] : memref<160x64xi32, #tpu.memory_space<hbm>> -> memref<16x64xi32, #tpu.memory_space<hbm>>
        %dma_wait3A_733 = arith.constant 0 : i32
        %dma_wait3A_734 = arith.constant 0 : i32
        %dma_wait3A_735 = tpu.memref_slice %arg7[%sub3A_721, %dma_wait3A_733, %dma_wait3A_734] : memref<2x16x64xi32, #tpu.memory_space<vmem>> -> memref<1x16x64xi32, #tpu.memory_space<vmem>>
        %dma_wait3A_736 = tpu.memref_squeeze %dma_wait3A_735 : memref<1x16x64xi32, #tpu.memory_space<vmem>> -> memref<16x64xi32, #tpu.memory_space<vmem>>
        %dma_wait3A_737 = arith.constant 0 : i32
        %dma_wait3A_738 = arith.constant 0 : i32
        %dma_wait3A_739 = tpu.memref_slice %arg4[%add3A, %dma_wait3A_737, %dma_wait3A_738] : memref<32x160x64xi32, #tpu.memory_space<hbm>> -> memref<1x160x64xi32, #tpu.memory_space<hbm>>
        %dma_wait3A_740 = tpu.memref_squeeze %dma_wait3A_739 : memref<1x160x64xi32, #tpu.memory_space<hbm>> -> memref<160x64xi32, #tpu.memory_space<hbm>>
        %dma_wait3A_741 = arith.constant 0 : i32
        %dma_wait3A_742 = arith.constant 0 : i32
        %dma_wait3A_743 = tpu.memref_slice %dma_wait3A_740[%dma_wait3A_741, %dma_wait3A_742] : memref<160x64xi32, #tpu.memory_space<hbm>> -> memref<16x64xi32, #tpu.memory_space<hbm>>
        tpu.wait_dma2 semaphore(%arg18 : memref<!tpu.dma_semaphore, #tpu.memory_space<semaphore_mem>>) src(%dma_wait3A_743 : memref<16x64xi32, #tpu.memory_space<hbm>>) dst(%dma_wait3A_736 : memref<16x64xi32, #tpu.memory_space<vmem>>)
      } else {
      }
      %add3A_535 = arith.constant 3 : i32
      %add3A_536 = arith.addi %add3A_389, %add3A_535 : i32
      %lt3A_537 = arith.constant 160 : i32
      %lt3A_538 = arith.cmpi slt, %add3A_536, %lt3A_537 : i32
      %convert_element_type3A_539 = arith.extui %lt3A_538 : i1 to i32
      %cond3A_540 = arith.constant 0 : i32
      %cond3A_541 = arith.cmpi ne, %convert_element_type3A_539, %cond3A_540 : i32
      scf.if %cond3A_541 {
        %add3A_696 = arith.constant 3 : i32
        %add3A_697 = arith.addi %add3A_389, %add3A_696 : i32
        %jit3A_698 = arith.constant 16 : i32
        %div3A_699 = arith.divsi %add3A_697, %jit3A_698 : i32
        %sign3A_700 = arith.constant 0 : i32
        %sign3A_701 = arith.cmpi sgt, %add3A_697, %sign3A_700 : i32
        %sign3A_702 = arith.extui %sign3A_701 : i1 to i32
        %sign3A_703 = arith.constant 0 : i32
        %sign3A_704 = arith.cmpi slt, %add3A_697, %sign3A_703 : i32
        %sign3A_705 = arith.extui %sign3A_704 : i1 to i32
        %sign3A_706 = arith.subi %sign3A_702, %sign3A_705 : i32
        %sign3A_707 = arith.constant 0 : i32
        %sign3A_708 = arith.cmpi sgt, %jit3A_698, %sign3A_707 : i32
        %sign3A_709 = arith.extui %sign3A_708 : i1 to i32
        %sign3A_710 = arith.constant 0 : i32
        %sign3A_711 = arith.cmpi slt, %jit3A_698, %sign3A_710 : i32
        %sign3A_712 = arith.extui %sign3A_711 : i1 to i32
        %sign3A_713 = arith.subi %sign3A_709, %sign3A_712 : i32
        %ne3A_714 = arith.cmpi ne, %sign3A_706, %sign3A_713 : i32
        %rem3A_715 = arith.remsi %add3A_697, %jit3A_698 : i32
        %ne3A_716 = arith.constant 0 : i32
        %ne3A_717 = arith.cmpi ne, %rem3A_715, %ne3A_716 : i32
        %and3A_718 = arith.andi %ne3A_714, %ne3A_717 : i1
        %sub3A_719 = arith.constant 1 : i32
        %sub3A_720 = arith.subi %div3A_699, %sub3A_719 : i32
        %select_n3A_721 = arith.select %and3A_718, %sub3A_720, %div3A_699 : i32
        %jit3A_722 = arith.constant 2 : i32
        %eq3A_723 = arith.constant 0 : i32
        %eq3A_724 = arith.cmpi eq, %jit3A_722, %eq3A_723 : i32
        %jit3A_725 = arith.constant 1 : i32
        %select_n3A_726 = arith.select %eq3A_724, %jit3A_725, %jit3A_722 : i32
        %rem3A_727 = arith.remsi %select_n3A_721, %select_n3A_726 : i32
        %ne3A_728 = arith.constant 0 : i32
        %ne3A_729 = arith.cmpi ne, %rem3A_727, %ne3A_728 : i32
        %lt3A_730 = arith.constant 0 : i32
        %lt3A_731 = arith.cmpi slt, %rem3A_727, %lt3A_730 : i32
        %lt3A_732 = arith.constant 0 : i32
        %lt3A_733 = arith.cmpi slt, %select_n3A_726, %lt3A_732 : i32
        %ne3A_734 = arith.xori %lt3A_731, %lt3A_733 : i1
        %and3A_735 = arith.andi %ne3A_734, %ne3A_729 : i1
        %add3A_736 = arith.addi %rem3A_727, %select_n3A_726 : i32
        %select_n3A_737 = arith.select %and3A_735, %add3A_736, %rem3A_727 : i32
        %jit3A_738 = arith.constant 16 : i32
        %eq3A_739 = arith.constant 0 : i32
        %eq3A_740 = arith.cmpi eq, %jit3A_738, %eq3A_739 : i32
        %jit3A_741 = arith.constant 1 : i32
        %select_n3A_742 = arith.select %eq3A_740, %jit3A_741, %jit3A_738 : i32
        %rem3A_743 = arith.remsi %add3A_697, %select_n3A_742 : i32
        %ne3A_744 = arith.constant 0 : i32
        %ne3A_745 = arith.cmpi ne, %rem3A_743, %ne3A_744 : i32
        %lt3A_746 = arith.constant 0 : i32
        %lt3A_747 = arith.cmpi slt, %rem3A_743, %lt3A_746 : i32
        %lt3A_748 = arith.constant 0 : i32
        %lt3A_749 = arith.cmpi slt, %select_n3A_742, %lt3A_748 : i32
        %ne3A_750 = arith.xori %lt3A_747, %lt3A_749 : i1
        %and3A_751 = arith.andi %ne3A_750, %ne3A_745 : i1
        %add3A_752 = arith.addi %rem3A_743, %select_n3A_742 : i32
        %select_n3A_753 = arith.select %and3A_751, %add3A_752, %rem3A_743 : i32
        %dma_start3A_754 = arith.constant 1 : i32
        %dma_start3A_755 = arith.constant 0 : i32
        %dma_start3A_756 = arith.constant 0 : i32
        %dma_start3A_757 = tpu.memref_slice %arg8[%dma_start3A_754, %dma_start3A_755, %dma_start3A_756] : memref<4x64x128xf32, #tpu.memory_space<vmem>> -> memref<1x64x128xf32, #tpu.memory_space<vmem>>
        %dma_start3A_758 = tpu.memref_squeeze %dma_start3A_757 : memref<1x64x128xf32, #tpu.memory_space<vmem>> -> memref<64x128xf32, #tpu.memory_space<vmem>>
        %dma_start3A_759 = arith.constant 0 : i32
        %dma_start3A_760 = arith.constant 0 : i32
        %dma_start3A_761 = tpu.memref_slice %arg7[%select_n3A_737, %dma_start3A_759, %dma_start3A_760] : memref<2x16x64xi32, #tpu.memory_space<vmem>> -> memref<1x16x64xi32, #tpu.memory_space<vmem>>
        %dma_start3A_762 = tpu.memref_squeeze %dma_start3A_761 : memref<1x16x64xi32, #tpu.memory_space<vmem>> -> memref<16x64xi32, #tpu.memory_space<vmem>>
        %dma_start3A_763 = arith.constant 0 : i32
        %dma_start3A_764 = tpu.memref_slice %dma_start3A_762[%select_n3A_753, %dma_start3A_763] : memref<16x64xi32, #tpu.memory_space<vmem>> -> memref<1x64xi32, #tpu.memory_space<vmem>>
        %dma_start3A_765 = tpu.memref_squeeze %dma_start3A_764 : memref<1x64xi32, #tpu.memory_space<vmem>> -> memref<64xi32, #tpu.memory_space<vmem>>
        %dma_start3A_766 = arith.constant 0 : i32
        %dma_start3A_767 = arith.constant 0 : i32
        %dma_start3A_768 = tpu.memref_slice %arg2[%dma_start3A_766, %dma_start3A_767] : memref<10000x128xf32, #tpu.memory_space<hbm>> -> memref<10000x128xf32, #tpu.memory_space<hbm>>
        tpu.enqueue_indirect_dma source(%dma_start3A_768 : memref<10000x128xf32, #tpu.memory_space<hbm>>) target(%dma_start3A_758 : memref<64x128xf32, #tpu.memory_space<vmem>>) offsets(%dma_start3A_765 : memref<64xi32, #tpu.memory_space<vmem>>) semaphore(%arg11 : memref<!tpu.dma_semaphore, #tpu.memory_space<semaphore_mem>>)
      } else {
      }
      %add3A_542 = arith.constant 3 : i32
      %add3A_543 = arith.addi %add3A_92, %add3A_542 : i32
      %jit3A_544 = arith.constant 16 : i32
      %div3A_545 = arith.divsi %add3A_543, %jit3A_544 : i32
      %sign3A_546 = arith.constant 0 : i32
      %sign3A_547 = arith.cmpi sgt, %add3A_543, %sign3A_546 : i32
      %sign3A_548 = arith.extui %sign3A_547 : i1 to i32
      %sign3A_549 = arith.constant 0 : i32
      %sign3A_550 = arith.cmpi slt, %add3A_543, %sign3A_549 : i32
      %sign3A_551 = arith.extui %sign3A_550 : i1 to i32
      %sign3A_552 = arith.subi %sign3A_548, %sign3A_551 : i32
      %sign3A_553 = arith.constant 0 : i32
      %sign3A_554 = arith.cmpi sgt, %jit3A_544, %sign3A_553 : i32
      %sign3A_555 = arith.extui %sign3A_554 : i1 to i32
      %sign3A_556 = arith.constant 0 : i32
      %sign3A_557 = arith.cmpi slt, %jit3A_544, %sign3A_556 : i32
      %sign3A_558 = arith.extui %sign3A_557 : i1 to i32
      %sign3A_559 = arith.subi %sign3A_555, %sign3A_558 : i32
      %ne3A_560 = arith.cmpi ne, %sign3A_552, %sign3A_559 : i32
      %rem3A_561 = arith.remsi %add3A_543, %jit3A_544 : i32
      %ne3A_562 = arith.constant 0 : i32
      %ne3A_563 = arith.cmpi ne, %rem3A_561, %ne3A_562 : i32
      %and3A_564 = arith.andi %ne3A_560, %ne3A_563 : i1
      %sub3A_565 = arith.constant 1 : i32
      %sub3A_566 = arith.subi %div3A_545, %sub3A_565 : i32
      %select_n3A_567 = arith.select %and3A_564, %sub3A_566, %div3A_545 : i32
      %jit3A_568 = arith.constant 2 : i32
      %eq3A_569 = arith.constant 0 : i32
      %eq3A_570 = arith.cmpi eq, %jit3A_568, %eq3A_569 : i32
      %jit3A_571 = arith.constant 1 : i32
      %select_n3A_572 = arith.select %eq3A_570, %jit3A_571, %jit3A_568 : i32
      %rem3A_573 = arith.remsi %select_n3A_567, %select_n3A_572 : i32
      %ne3A_574 = arith.constant 0 : i32
      %ne3A_575 = arith.cmpi ne, %rem3A_573, %ne3A_574 : i32
      %lt3A_576 = arith.constant 0 : i32
      %lt3A_577 = arith.cmpi slt, %rem3A_573, %lt3A_576 : i32
      %lt3A_578 = arith.constant 0 : i32
      %lt3A_579 = arith.cmpi slt, %select_n3A_572, %lt3A_578 : i32
      %ne3A_580 = arith.xori %lt3A_577, %lt3A_579 : i1
      %and3A_581 = arith.andi %ne3A_580, %ne3A_575 : i1
      %add3A_582 = arith.addi %rem3A_573, %select_n3A_572 : i32
      %select_n3A_583 = arith.select %and3A_581, %add3A_582, %rem3A_573 : i32
      %dma_wait3A_584 = arith.constant 0 : i32
      %dma_wait3A_585 = arith.constant 0 : i32
      %dma_wait3A_586 = arith.constant 3 : i32
      %dma_wait3A_587 = arith.constant 0 : i32
      %dma_wait3A_588 = arith.constant 0 : i32
      %dma_wait3A_589 = tpu.memref_slice %arg8[%dma_wait3A_586, %dma_wait3A_587, %dma_wait3A_588] : memref<4x64x128xf32, #tpu.memory_space<vmem>> -> memref<1x64x128xf32, #tpu.memory_space<vmem>>
      %dma_wait3A_590 = tpu.memref_squeeze %dma_wait3A_589 : memref<1x64x128xf32, #tpu.memory_space<vmem>> -> memref<64x128xf32, #tpu.memory_space<vmem>>
      %dma_wait3A_591 = arith.constant 0 : i32
      %dma_wait3A_592 = arith.constant 0 : i32
      %dma_wait3A_593 = tpu.memref_slice %arg7[%dma_wait3A_584, %dma_wait3A_591, %dma_wait3A_592] : memref<2x16x64xi32, #tpu.memory_space<vmem>> -> memref<1x16x64xi32, #tpu.memory_space<vmem>>
      %dma_wait3A_594 = tpu.memref_squeeze %dma_wait3A_593 : memref<1x16x64xi32, #tpu.memory_space<vmem>> -> memref<16x64xi32, #tpu.memory_space<vmem>>
      %dma_wait3A_595 = arith.constant 0 : i32
      %dma_wait3A_596 = tpu.memref_slice %dma_wait3A_594[%dma_wait3A_585, %dma_wait3A_595] : memref<16x64xi32, #tpu.memory_space<vmem>> -> memref<1x64xi32, #tpu.memory_space<vmem>>
      %dma_wait3A_597 = tpu.memref_squeeze %dma_wait3A_596 : memref<1x64xi32, #tpu.memory_space<vmem>> -> memref<64xi32, #tpu.memory_space<vmem>>
      %dma_wait3A_598 = arith.constant 0 : i32
      %dma_wait3A_599 = arith.constant 0 : i32
      %dma_wait3A_600 = tpu.memref_slice %arg2[%dma_wait3A_598, %dma_wait3A_599] : memref<10000x128xf32, #tpu.memory_space<hbm>> -> memref<10000x128xf32, #tpu.memory_space<hbm>>
      tpu.wait_indirect_dma semaphore(%arg13 : memref<!tpu.dma_semaphore, #tpu.memory_space<semaphore_mem>>) src(%dma_wait3A_600 : memref<10000x128xf32, #tpu.memory_space<hbm>>) dst(%dma_wait3A_590 : memref<64x128xf32, #tpu.memory_space<vmem>>)
      %ge3A_601 = arith.constant 1 : i32
      %ge3A_602 = arith.cmpi sge, %add3A_543, %ge3A_601 : i32
      %convert_element_type3A_603 = arith.extui %ge3A_602 : i1 to i32
      %cond3A_604 = arith.constant 0 : i32
      %cond3A_605 = arith.cmpi ne, %convert_element_type3A_603, %cond3A_604 : i32
      scf.if %cond3A_605 {
        %dma_wait3A_696 = arith.constant 2 : i32
        %dma_wait3A_697 = arith.constant 0 : i32
        %dma_wait3A_698 = arith.constant 0 : i32
        %dma_wait3A_699 = arith.constant 0 : i32
        %dma_wait3A_700 = arith.constant 0 : i32
        %dma_wait3A_701 = tpu.memref_slice %arg8[%dma_wait3A_696, %dma_wait3A_699, %dma_wait3A_700] : memref<4x64x128xf32, #tpu.memory_space<vmem>> -> memref<1x64x128xf32, #tpu.memory_space<vmem>>
        %dma_wait3A_702 = tpu.memref_squeeze %dma_wait3A_701 : memref<1x64x128xf32, #tpu.memory_space<vmem>> -> memref<64x128xf32, #tpu.memory_space<vmem>>
        %dma_wait3A_703 = arith.constant 0 : i32
        %dma_wait3A_704 = arith.constant 0 : i32
        %dma_wait3A_705 = tpu.memref_slice %arg6[%dma_wait3A_697, %dma_wait3A_703, %dma_wait3A_704] : memref<2x16x64xi32, #tpu.memory_space<vmem>> -> memref<1x16x64xi32, #tpu.memory_space<vmem>>
        %dma_wait3A_706 = tpu.memref_squeeze %dma_wait3A_705 : memref<1x16x64xi32, #tpu.memory_space<vmem>> -> memref<16x64xi32, #tpu.memory_space<vmem>>
        %dma_wait3A_707 = arith.constant 0 : i32
        %dma_wait3A_708 = tpu.memref_slice %dma_wait3A_706[%dma_wait3A_698, %dma_wait3A_707] : memref<16x64xi32, #tpu.memory_space<vmem>> -> memref<1x64xi32, #tpu.memory_space<vmem>>
        %dma_wait3A_709 = tpu.memref_squeeze %dma_wait3A_708 : memref<1x64xi32, #tpu.memory_space<vmem>> -> memref<64xi32, #tpu.memory_space<vmem>>
        %dma_wait3A_710 = arith.constant 0 : i32
        %dma_wait3A_711 = arith.constant 0 : i32
        %dma_wait3A_712 = tpu.memref_slice %arg9[%dma_wait3A_710, %dma_wait3A_711] : memref<10240x128xf32, #tpu.memory_space<vmem_shared>> -> memref<10240x128xf32, #tpu.memory_space<vmem_shared>>
        tpu.wait_indirect_dma semaphore(%arg16 : memref<!tpu.dma_semaphore, #tpu.memory_space<semaphore_mem>>) src(%dma_wait3A_702 : memref<64x128xf32, #tpu.memory_space<vmem>>) dst(%dma_wait3A_712 : memref<10240x128xf32, #tpu.memory_space<vmem_shared>>)
      } else {
      }
      %jit3A_606 = arith.constant 16 : i32
      %eq3A_607 = arith.constant 0 : i32
      %eq3A_608 = arith.cmpi eq, %jit3A_606, %eq3A_607 : i32
      %jit3A_609 = arith.constant 1 : i32
      %select_n3A_610 = arith.select %eq3A_608, %jit3A_609, %jit3A_606 : i32
      %rem3A_611 = arith.remsi %add3A_543, %select_n3A_610 : i32
      %ne3A_612 = arith.constant 0 : i32
      %ne3A_613 = arith.cmpi ne, %rem3A_611, %ne3A_612 : i32
      %lt3A_614 = arith.constant 0 : i32
      %lt3A_615 = arith.cmpi slt, %rem3A_611, %lt3A_614 : i32
      %lt3A_616 = arith.constant 0 : i32
      %lt3A_617 = arith.cmpi slt, %select_n3A_610, %lt3A_616 : i32
      %ne3A_618 = arith.xori %lt3A_615, %lt3A_617 : i1
      %and3A_619 = arith.andi %ne3A_618, %ne3A_613 : i1
      %add3A_620 = arith.addi %rem3A_611, %select_n3A_610 : i32
      %select_n3A_621 = arith.select %and3A_619, %add3A_620, %rem3A_611 : i32
      %dma_start3A_622 = arith.constant 3 : i32
      %dma_start3A_623 = arith.constant 0 : i32
      %dma_start3A_624 = arith.constant 0 : i32
      %dma_start3A_625 = tpu.memref_slice %arg8[%dma_start3A_622, %dma_start3A_623, %dma_start3A_624] : memref<4x64x128xf32, #tpu.memory_space<vmem>> -> memref<1x64x128xf32, #tpu.memory_space<vmem>>
      %dma_start3A_626 = tpu.memref_squeeze %dma_start3A_625 : memref<1x64x128xf32, #tpu.memory_space<vmem>> -> memref<64x128xf32, #tpu.memory_space<vmem>>
      %dma_start3A_627 = arith.constant 0 : i32
      %dma_start3A_628 = arith.constant 0 : i32
      %dma_start3A_629 = tpu.memref_slice %arg6[%select_n3A_583, %dma_start3A_627, %dma_start3A_628] : memref<2x16x64xi32, #tpu.memory_space<vmem>> -> memref<1x16x64xi32, #tpu.memory_space<vmem>>
      %dma_start3A_630 = tpu.memref_squeeze %dma_start3A_629 : memref<1x16x64xi32, #tpu.memory_space<vmem>> -> memref<16x64xi32, #tpu.memory_space<vmem>>
      %dma_start3A_631 = arith.constant 0 : i32
      %dma_start3A_632 = tpu.memref_slice %dma_start3A_630[%select_n3A_621, %dma_start3A_631] : memref<16x64xi32, #tpu.memory_space<vmem>> -> memref<1x64xi32, #tpu.memory_space<vmem>>
      %dma_start3A_633 = tpu.memref_squeeze %dma_start3A_632 : memref<1x64xi32, #tpu.memory_space<vmem>> -> memref<64xi32, #tpu.memory_space<vmem>>
      %dma_start3A_634 = arith.constant 0 : i32
      %dma_start3A_635 = arith.constant 0 : i32
      %dma_start3A_636 = tpu.memref_slice %arg9[%dma_start3A_634, %dma_start3A_635] : memref<10240x128xf32, #tpu.memory_space<vmem_shared>> -> memref<10240x128xf32, #tpu.memory_space<vmem_shared>>
      tpu.enqueue_indirect_dma source(%dma_start3A_626 : memref<64x128xf32, #tpu.memory_space<vmem>>) target(%dma_start3A_636 : memref<10240x128xf32, #tpu.memory_space<vmem_shared>>) offsets(%dma_start3A_633 : memref<64xi32, #tpu.memory_space<vmem>>) semaphore(%arg17 : memref<!tpu.dma_semaphore, #tpu.memory_space<semaphore_mem>>) {add = true}
      %jit3A_637 = arith.constant 16 : i32
      %eq3A_638 = arith.constant 0 : i32
      %eq3A_639 = arith.cmpi eq, %jit3A_637, %eq3A_638 : i32
      %jit3A_640 = arith.constant 1 : i32
      %select_n3A_641 = arith.select %eq3A_639, %jit3A_640, %jit3A_637 : i32
      %rem3A_642 = arith.remsi %add3A_543, %select_n3A_641 : i32
      %ne3A_643 = arith.constant 0 : i32
      %ne3A_644 = arith.cmpi ne, %rem3A_642, %ne3A_643 : i32
      %lt3A_645 = arith.constant 0 : i32
      %lt3A_646 = arith.cmpi slt, %rem3A_642, %lt3A_645 : i32
      %lt3A_647 = arith.constant 0 : i32
      %lt3A_648 = arith.cmpi slt, %select_n3A_641, %lt3A_647 : i32
      %ne3A_649 = arith.xori %lt3A_646, %lt3A_648 : i1
      %and3A_650 = arith.andi %ne3A_649, %ne3A_644 : i1
      %add3A_651 = arith.addi %rem3A_642, %select_n3A_641 : i32
      %select_n3A_652 = arith.select %and3A_650, %add3A_651, %rem3A_642 : i32
      %eq3A_653 = arith.constant 2 : i32
      %eq3A_654 = arith.cmpi eq, %select_n3A_652, %eq3A_653 : i32
      %add3A_655 = arith.constant 1 : i32
      %add3A_656 = arith.addi %select_n3A_567, %add3A_655 : i32
      %lt3A_657 = arith.constant 10 : i32
      %lt3A_658 = arith.cmpi slt, %add3A_656, %lt3A_657 : i32
      %and3A_659 = arith.andi %eq3A_654, %lt3A_658 : i1
      %convert_element_type3A_660 = arith.extui %and3A_659 : i1 to i32
      %cond3A_661 = arith.constant 0 : i32
      %cond3A_662 = arith.cmpi ne, %convert_element_type3A_660, %cond3A_661 : i32
      scf.if %cond3A_662 {
        %add3A_696 = arith.constant 1 : i32
        %add3A_697 = arith.addi %select_n3A_567, %add3A_696 : i32
        %mul3A_698 = arith.constant 16 : i32
        %mul3A_699 = arith.muli %add3A_697, %mul3A_698 : i32
        %sub3A_700 = arith.constant 1 : i32
        %sub3A_701 = arith.subi %sub3A_700, %select_n3A_583 : i32
        %dma_start3A_702 = arith.constant 0 : i32
        %dma_start3A_703 = arith.constant 0 : i32
        %dma_start3A_704 = tpu.memref_slice %arg6[%sub3A_701, %dma_start3A_702, %dma_start3A_703] : memref<2x16x64xi32, #tpu.memory_space<vmem>> -> memref<1x16x64xi32, #tpu.memory_space<vmem>>
        %dma_start3A_705 = tpu.memref_squeeze %dma_start3A_704 : memref<1x16x64xi32, #tpu.memory_space<vmem>> -> memref<16x64xi32, #tpu.memory_space<vmem>>
        %dma_start3A_706 = arith.constant 0 : i32
        %dma_start3A_707 = arith.constant 0 : i32
        %dma_start3A_708 = tpu.memref_slice %arg3[%add3A, %dma_start3A_706, %dma_start3A_707] : memref<32x160x64xi32, #tpu.memory_space<hbm>> -> memref<1x160x64xi32, #tpu.memory_space<hbm>>
        %dma_start3A_709 = tpu.memref_squeeze %dma_start3A_708 : memref<1x160x64xi32, #tpu.memory_space<hbm>> -> memref<160x64xi32, #tpu.memory_space<hbm>>
        %dma_start3A_710 = arith.constant 0 : i32
        %dma_start3A_711 = tpu.memref_slice %dma_start3A_709[%mul3A_699, %dma_start3A_710] : memref<160x64xi32, #tpu.memory_space<hbm>> -> memref<16x64xi32, #tpu.memory_space<hbm>>
        %dma_start3A_712 = arith.constant 0 : i32
        %dma_start3A_713 = arith.constant 0 : i32
        %dma_start3A_714 = tpu.memref_slice %arg6[%sub3A_701, %dma_start3A_712, %dma_start3A_713] : memref<2x16x64xi32, #tpu.memory_space<vmem>> -> memref<1x16x64xi32, #tpu.memory_space<vmem>>
        %dma_start3A_715 = tpu.memref_squeeze %dma_start3A_714 : memref<1x16x64xi32, #tpu.memory_space<vmem>> -> memref<16x64xi32, #tpu.memory_space<vmem>>
        %dma_start3A_716 = arith.constant 0 : i32
        %dma_start3A_717 = arith.constant 0 : i32
        %dma_start3A_718 = tpu.memref_slice %arg3[%add3A, %dma_start3A_716, %dma_start3A_717] : memref<32x160x64xi32, #tpu.memory_space<hbm>> -> memref<1x160x64xi32, #tpu.memory_space<hbm>>
        %dma_start3A_719 = tpu.memref_squeeze %dma_start3A_718 : memref<1x160x64xi32, #tpu.memory_space<hbm>> -> memref<160x64xi32, #tpu.memory_space<hbm>>
        %dma_start3A_720 = arith.constant 0 : i32
        %dma_start3A_721 = tpu.memref_slice %dma_start3A_719[%mul3A_699, %dma_start3A_720] : memref<160x64xi32, #tpu.memory_space<hbm>> -> memref<16x64xi32, #tpu.memory_space<hbm>>
        tpu.enqueue_dma source(%dma_start3A_721 : memref<16x64xi32, #tpu.memory_space<hbm>>) target(%dma_start3A_715 : memref<16x64xi32, #tpu.memory_space<vmem>>) target_semaphore(%arg18 : memref<!tpu.dma_semaphore, #tpu.memory_space<semaphore_mem>>)
        %add3A_722 = arith.constant 1 : i32
        %add3A_723 = arith.addi %select_n3A_567, %add3A_722 : i32
        %mul3A_724 = arith.constant 16 : i32
        %mul3A_725 = arith.muli %add3A_723, %mul3A_724 : i32
        %sub3A_726 = arith.constant 1 : i32
        %sub3A_727 = arith.subi %sub3A_726, %select_n3A_583 : i32
        %dma_start3A_728 = arith.constant 0 : i32
        %dma_start3A_729 = arith.constant 0 : i32
        %dma_start3A_730 = tpu.memref_slice %arg7[%sub3A_727, %dma_start3A_728, %dma_start3A_729] : memref<2x16x64xi32, #tpu.memory_space<vmem>> -> memref<1x16x64xi32, #tpu.memory_space<vmem>>
        %dma_start3A_731 = tpu.memref_squeeze %dma_start3A_730 : memref<1x16x64xi32, #tpu.memory_space<vmem>> -> memref<16x64xi32, #tpu.memory_space<vmem>>
        %dma_start3A_732 = arith.constant 0 : i32
        %dma_start3A_733 = arith.constant 0 : i32
        %dma_start3A_734 = tpu.memref_slice %arg4[%add3A, %dma_start3A_732, %dma_start3A_733] : memref<32x160x64xi32, #tpu.memory_space<hbm>> -> memref<1x160x64xi32, #tpu.memory_space<hbm>>
        %dma_start3A_735 = tpu.memref_squeeze %dma_start3A_734 : memref<1x160x64xi32, #tpu.memory_space<hbm>> -> memref<160x64xi32, #tpu.memory_space<hbm>>
        %dma_start3A_736 = arith.constant 0 : i32
        %dma_start3A_737 = tpu.memref_slice %dma_start3A_735[%mul3A_725, %dma_start3A_736] : memref<160x64xi32, #tpu.memory_space<hbm>> -> memref<16x64xi32, #tpu.memory_space<hbm>>
        %dma_start3A_738 = arith.constant 0 : i32
        %dma_start3A_739 = arith.constant 0 : i32
        %dma_start3A_740 = tpu.memref_slice %arg7[%sub3A_727, %dma_start3A_738, %dma_start3A_739] : memref<2x16x64xi32, #tpu.memory_space<vmem>> -> memref<1x16x64xi32, #tpu.memory_space<vmem>>
        %dma_start3A_741 = tpu.memref_squeeze %dma_start3A_740 : memref<1x16x64xi32, #tpu.memory_space<vmem>> -> memref<16x64xi32, #tpu.memory_space<vmem>>
        %dma_start3A_742 = arith.constant 0 : i32
        %dma_start3A_743 = arith.constant 0 : i32
        %dma_start3A_744 = tpu.memref_slice %arg4[%add3A, %dma_start3A_742, %dma_start3A_743] : memref<32x160x64xi32, #tpu.memory_space<hbm>> -> memref<1x160x64xi32, #tpu.memory_space<hbm>>
        %dma_start3A_745 = tpu.memref_squeeze %dma_start3A_744 : memref<1x160x64xi32, #tpu.memory_space<hbm>> -> memref<160x64xi32, #tpu.memory_space<hbm>>
        %dma_start3A_746 = arith.constant 0 : i32
        %dma_start3A_747 = tpu.memref_slice %dma_start3A_745[%mul3A_725, %dma_start3A_746] : memref<160x64xi32, #tpu.memory_space<hbm>> -> memref<16x64xi32, #tpu.memory_space<hbm>>
        tpu.enqueue_dma source(%dma_start3A_747 : memref<16x64xi32, #tpu.memory_space<hbm>>) target(%dma_start3A_741 : memref<16x64xi32, #tpu.memory_space<vmem>>) target_semaphore(%arg18 : memref<!tpu.dma_semaphore, #tpu.memory_space<semaphore_mem>>)
      } else {
      }
      %jit3A_663 = arith.constant 16 : i32
      %eq3A_664 = arith.constant 0 : i32
      %eq3A_665 = arith.cmpi eq, %jit3A_663, %eq3A_664 : i32
      %jit3A_666 = arith.constant 1 : i32
      %select_n3A_667 = arith.select %eq3A_665, %jit3A_666, %jit3A_663 : i32
      %rem3A_668 = arith.remsi %add3A_543, %select_n3A_667 : i32
      %ne3A_669 = arith.constant 0 : i32
      %ne3A_670 = arith.cmpi ne, %rem3A_668, %ne3A_669 : i32
      %lt3A_671 = arith.constant 0 : i32
      %lt3A_672 = arith.cmpi slt, %rem3A_668, %lt3A_671 : i32
      %lt3A_673 = arith.constant 0 : i32
      %lt3A_674 = arith.cmpi slt, %select_n3A_667, %lt3A_673 : i32
      %ne3A_675 = arith.xori %lt3A_672, %lt3A_674 : i1
      %and3A_676 = arith.andi %ne3A_675, %ne3A_670 : i1
      %add3A_677 = arith.addi %rem3A_668, %select_n3A_667 : i32
      %select_n3A_678 = arith.select %and3A_676, %add3A_677, %rem3A_668 : i32
      %eq3A_679 = arith.constant 12 : i32
      %eq3A_680 = arith.cmpi eq, %select_n3A_678, %eq3A_679 : i32
      %add3A_681 = arith.constant 1 : i32
      %add3A_682 = arith.addi %select_n3A_567, %add3A_681 : i32
      %lt3A_683 = arith.constant 10 : i32
      %lt3A_684 = arith.cmpi slt, %add3A_682, %lt3A_683 : i32
      %and3A_685 = arith.andi %eq3A_680, %lt3A_684 : i1
      %convert_element_type3A_686 = arith.extui %and3A_685 : i1 to i32
      %cond3A_687 = arith.constant 0 : i32
      %cond3A_688 = arith.cmpi ne, %convert_element_type3A_686, %cond3A_687 : i32
      scf.if %cond3A_688 {
        %sub3A_696 = arith.constant 1 : i32
        %sub3A_697 = arith.subi %sub3A_696, %select_n3A_583 : i32
        %dma_wait3A_698 = arith.constant 0 : i32
        %dma_wait3A_699 = arith.constant 0 : i32
        %dma_wait3A_700 = tpu.memref_slice %arg6[%sub3A_697, %dma_wait3A_698, %dma_wait3A_699] : memref<2x16x64xi32, #tpu.memory_space<vmem>> -> memref<1x16x64xi32, #tpu.memory_space<vmem>>
        %dma_wait3A_701 = tpu.memref_squeeze %dma_wait3A_700 : memref<1x16x64xi32, #tpu.memory_space<vmem>> -> memref<16x64xi32, #tpu.memory_space<vmem>>
        %dma_wait3A_702 = arith.constant 0 : i32
        %dma_wait3A_703 = arith.constant 0 : i32
        %dma_wait3A_704 = tpu.memref_slice %arg3[%add3A, %dma_wait3A_702, %dma_wait3A_703] : memref<32x160x64xi32, #tpu.memory_space<hbm>> -> memref<1x160x64xi32, #tpu.memory_space<hbm>>
        %dma_wait3A_705 = tpu.memref_squeeze %dma_wait3A_704 : memref<1x160x64xi32, #tpu.memory_space<hbm>> -> memref<160x64xi32, #tpu.memory_space<hbm>>
        %dma_wait3A_706 = arith.constant 0 : i32
        %dma_wait3A_707 = arith.constant 0 : i32
        %dma_wait3A_708 = tpu.memref_slice %dma_wait3A_705[%dma_wait3A_706, %dma_wait3A_707] : memref<160x64xi32, #tpu.memory_space<hbm>> -> memref<16x64xi32, #tpu.memory_space<hbm>>
        %dma_wait3A_709 = arith.constant 0 : i32
        %dma_wait3A_710 = arith.constant 0 : i32
        %dma_wait3A_711 = tpu.memref_slice %arg6[%sub3A_697, %dma_wait3A_709, %dma_wait3A_710] : memref<2x16x64xi32, #tpu.memory_space<vmem>> -> memref<1x16x64xi32, #tpu.memory_space<vmem>>
        %dma_wait3A_712 = tpu.memref_squeeze %dma_wait3A_711 : memref<1x16x64xi32, #tpu.memory_space<vmem>> -> memref<16x64xi32, #tpu.memory_space<vmem>>
        %dma_wait3A_713 = arith.constant 0 : i32
        %dma_wait3A_714 = arith.constant 0 : i32
        %dma_wait3A_715 = tpu.memref_slice %arg3[%add3A, %dma_wait3A_713, %dma_wait3A_714] : memref<32x160x64xi32, #tpu.memory_space<hbm>> -> memref<1x160x64xi32, #tpu.memory_space<hbm>>
        %dma_wait3A_716 = tpu.memref_squeeze %dma_wait3A_715 : memref<1x160x64xi32, #tpu.memory_space<hbm>> -> memref<160x64xi32, #tpu.memory_space<hbm>>
        %dma_wait3A_717 = arith.constant 0 : i32
        %dma_wait3A_718 = arith.constant 0 : i32
        %dma_wait3A_719 = tpu.memref_slice %dma_wait3A_716[%dma_wait3A_717, %dma_wait3A_718] : memref<160x64xi32, #tpu.memory_space<hbm>> -> memref<16x64xi32, #tpu.memory_space<hbm>>
        tpu.wait_dma2 semaphore(%arg18 : memref<!tpu.dma_semaphore, #tpu.memory_space<semaphore_mem>>) src(%dma_wait3A_719 : memref<16x64xi32, #tpu.memory_space<hbm>>) dst(%dma_wait3A_712 : memref<16x64xi32, #tpu.memory_space<vmem>>)
        %sub3A_720 = arith.constant 1 : i32
        %sub3A_721 = arith.subi %sub3A_720, %select_n3A_583 : i32
        %dma_wait3A_722 = arith.constant 0 : i32
        %dma_wait3A_723 = arith.constant 0 : i32
        %dma_wait3A_724 = tpu.memref_slice %arg7[%sub3A_721, %dma_wait3A_722, %dma_wait3A_723] : memref<2x16x64xi32, #tpu.memory_space<vmem>> -> memref<1x16x64xi32, #tpu.memory_space<vmem>>
        %dma_wait3A_725 = tpu.memref_squeeze %dma_wait3A_724 : memref<1x16x64xi32, #tpu.memory_space<vmem>> -> memref<16x64xi32, #tpu.memory_space<vmem>>
        %dma_wait3A_726 = arith.constant 0 : i32
        %dma_wait3A_727 = arith.constant 0 : i32
        %dma_wait3A_728 = tpu.memref_slice %arg4[%add3A, %dma_wait3A_726, %dma_wait3A_727] : memref<32x160x64xi32, #tpu.memory_space<hbm>> -> memref<1x160x64xi32, #tpu.memory_space<hbm>>
        %dma_wait3A_729 = tpu.memref_squeeze %dma_wait3A_728 : memref<1x160x64xi32, #tpu.memory_space<hbm>> -> memref<160x64xi32, #tpu.memory_space<hbm>>
        %dma_wait3A_730 = arith.constant 0 : i32
        %dma_wait3A_731 = arith.constant 0 : i32
        %dma_wait3A_732 = tpu.memref_slice %dma_wait3A_729[%dma_wait3A_730, %dma_wait3A_731] : memref<160x64xi32, #tpu.memory_space<hbm>> -> memref<16x64xi32, #tpu.memory_space<hbm>>
        %dma_wait3A_733 = arith.constant 0 : i32
        %dma_wait3A_734 = arith.constant 0 : i32
        %dma_wait3A_735 = tpu.memref_slice %arg7[%sub3A_721, %dma_wait3A_733, %dma_wait3A_734] : memref<2x16x64xi32, #tpu.memory_space<vmem>> -> memref<1x16x64xi32, #tpu.memory_space<vmem>>
        %dma_wait3A_736 = tpu.memref_squeeze %dma_wait3A_735 : memref<1x16x64xi32, #tpu.memory_space<vmem>> -> memref<16x64xi32, #tpu.memory_space<vmem>>
        %dma_wait3A_737 = arith.constant 0 : i32
        %dma_wait3A_738 = arith.constant 0 : i32
        %dma_wait3A_739 = tpu.memref_slice %arg4[%add3A, %dma_wait3A_737, %dma_wait3A_738] : memref<32x160x64xi32, #tpu.memory_space<hbm>> -> memref<1x160x64xi32, #tpu.memory_space<hbm>>
        %dma_wait3A_740 = tpu.memref_squeeze %dma_wait3A_739 : memref<1x160x64xi32, #tpu.memory_space<hbm>> -> memref<160x64xi32, #tpu.memory_space<hbm>>
        %dma_wait3A_741 = arith.constant 0 : i32
        %dma_wait3A_742 = arith.constant 0 : i32
        %dma_wait3A_743 = tpu.memref_slice %dma_wait3A_740[%dma_wait3A_741, %dma_wait3A_742] : memref<160x64xi32, #tpu.memory_space<hbm>> -> memref<16x64xi32, #tpu.memory_space<hbm>>
        tpu.wait_dma2 semaphore(%arg18 : memref<!tpu.dma_semaphore, #tpu.memory_space<semaphore_mem>>) src(%dma_wait3A_743 : memref<16x64xi32, #tpu.memory_space<hbm>>) dst(%dma_wait3A_736 : memref<16x64xi32, #tpu.memory_space<vmem>>)
      } else {
      }
      %add3A_689 = arith.constant 3 : i32
      %add3A_690 = arith.addi %add3A_543, %add3A_689 : i32
      %lt3A_691 = arith.constant 160 : i32
      %lt3A_692 = arith.cmpi slt, %add3A_690, %lt3A_691 : i32
      %convert_element_type3A_693 = arith.extui %lt3A_692 : i1 to i32
      %cond3A_694 = arith.constant 0 : i32
      %cond3A_695 = arith.cmpi ne, %convert_element_type3A_693, %cond3A_694 : i32
      scf.if %cond3A_695 {
        %add3A_696 = arith.constant 3 : i32
        %add3A_697 = arith.addi %add3A_543, %add3A_696 : i32
        %jit3A_698 = arith.constant 16 : i32
        %div3A_699 = arith.divsi %add3A_697, %jit3A_698 : i32
        %sign3A_700 = arith.constant 0 : i32
        %sign3A_701 = arith.cmpi sgt, %add3A_697, %sign3A_700 : i32
        %sign3A_702 = arith.extui %sign3A_701 : i1 to i32
        %sign3A_703 = arith.constant 0 : i32
        %sign3A_704 = arith.cmpi slt, %add3A_697, %sign3A_703 : i32
        %sign3A_705 = arith.extui %sign3A_704 : i1 to i32
        %sign3A_706 = arith.subi %sign3A_702, %sign3A_705 : i32
        %sign3A_707 = arith.constant 0 : i32
        %sign3A_708 = arith.cmpi sgt, %jit3A_698, %sign3A_707 : i32
        %sign3A_709 = arith.extui %sign3A_708 : i1 to i32
        %sign3A_710 = arith.constant 0 : i32
        %sign3A_711 = arith.cmpi slt, %jit3A_698, %sign3A_710 : i32
        %sign3A_712 = arith.extui %sign3A_711 : i1 to i32
        %sign3A_713 = arith.subi %sign3A_709, %sign3A_712 : i32
        %ne3A_714 = arith.cmpi ne, %sign3A_706, %sign3A_713 : i32
        %rem3A_715 = arith.remsi %add3A_697, %jit3A_698 : i32
        %ne3A_716 = arith.constant 0 : i32
        %ne3A_717 = arith.cmpi ne, %rem3A_715, %ne3A_716 : i32
        %and3A_718 = arith.andi %ne3A_714, %ne3A_717 : i1
        %sub3A_719 = arith.constant 1 : i32
        %sub3A_720 = arith.subi %div3A_699, %sub3A_719 : i32
        %select_n3A_721 = arith.select %and3A_718, %sub3A_720, %div3A_699 : i32
        %jit3A_722 = arith.constant 2 : i32
        %eq3A_723 = arith.constant 0 : i32
        %eq3A_724 = arith.cmpi eq, %jit3A_722, %eq3A_723 : i32
        %jit3A_725 = arith.constant 1 : i32
        %select_n3A_726 = arith.select %eq3A_724, %jit3A_725, %jit3A_722 : i32
        %rem3A_727 = arith.remsi %select_n3A_721, %select_n3A_726 : i32
        %ne3A_728 = arith.constant 0 : i32
        %ne3A_729 = arith.cmpi ne, %rem3A_727, %ne3A_728 : i32
        %lt3A_730 = arith.constant 0 : i32
        %lt3A_731 = arith.cmpi slt, %rem3A_727, %lt3A_730 : i32
        %lt3A_732 = arith.constant 0 : i32
        %lt3A_733 = arith.cmpi slt, %select_n3A_726, %lt3A_732 : i32
        %ne3A_734 = arith.xori %lt3A_731, %lt3A_733 : i1
        %and3A_735 = arith.andi %ne3A_734, %ne3A_729 : i1
        %add3A_736 = arith.addi %rem3A_727, %select_n3A_726 : i32
        %select_n3A_737 = arith.select %and3A_735, %add3A_736, %rem3A_727 : i32
        %jit3A_738 = arith.constant 16 : i32
        %eq3A_739 = arith.constant 0 : i32
        %eq3A_740 = arith.cmpi eq, %jit3A_738, %eq3A_739 : i32
        %jit3A_741 = arith.constant 1 : i32
        %select_n3A_742 = arith.select %eq3A_740, %jit3A_741, %jit3A_738 : i32
        %rem3A_743 = arith.remsi %add3A_697, %select_n3A_742 : i32
        %ne3A_744 = arith.constant 0 : i32
        %ne3A_745 = arith.cmpi ne, %rem3A_743, %ne3A_744 : i32
        %lt3A_746 = arith.constant 0 : i32
        %lt3A_747 = arith.cmpi slt, %rem3A_743, %lt3A_746 : i32
        %lt3A_748 = arith.constant 0 : i32
        %lt3A_749 = arith.cmpi slt, %select_n3A_742, %lt3A_748 : i32
        %ne3A_750 = arith.xori %lt3A_747, %lt3A_749 : i1
        %and3A_751 = arith.andi %ne3A_750, %ne3A_745 : i1
        %add3A_752 = arith.addi %rem3A_743, %select_n3A_742 : i32
        %select_n3A_753 = arith.select %and3A_751, %add3A_752, %rem3A_743 : i32
        %dma_start3A_754 = arith.constant 2 : i32
        %dma_start3A_755 = arith.constant 0 : i32
        %dma_start3A_756 = arith.constant 0 : i32
        %dma_start3A_757 = tpu.memref_slice %arg8[%dma_start3A_754, %dma_start3A_755, %dma_start3A_756] : memref<4x64x128xf32, #tpu.memory_space<vmem>> -> memref<1x64x128xf32, #tpu.memory_space<vmem>>
        %dma_start3A_758 = tpu.memref_squeeze %dma_start3A_757 : memref<1x64x128xf32, #tpu.memory_space<vmem>> -> memref<64x128xf32, #tpu.memory_space<vmem>>
        %dma_start3A_759 = arith.constant 0 : i32
        %dma_start3A_760 = arith.constant 0 : i32
        %dma_start3A_761 = tpu.memref_slice %arg7[%select_n3A_737, %dma_start3A_759, %dma_start3A_760] : memref<2x16x64xi32, #tpu.memory_space<vmem>> -> memref<1x16x64xi32, #tpu.memory_space<vmem>>
        %dma_start3A_762 = tpu.memref_squeeze %dma_start3A_761 : memref<1x16x64xi32, #tpu.memory_space<vmem>> -> memref<16x64xi32, #tpu.memory_space<vmem>>
        %dma_start3A_763 = arith.constant 0 : i32
        %dma_start3A_764 = tpu.memref_slice %dma_start3A_762[%select_n3A_753, %dma_start3A_763] : memref<16x64xi32, #tpu.memory_space<vmem>> -> memref<1x64xi32, #tpu.memory_space<vmem>>
        %dma_start3A_765 = tpu.memref_squeeze %dma_start3A_764 : memref<1x64xi32, #tpu.memory_space<vmem>> -> memref<64xi32, #tpu.memory_space<vmem>>
        %dma_start3A_766 = arith.constant 0 : i32
        %dma_start3A_767 = arith.constant 0 : i32
        %dma_start3A_768 = tpu.memref_slice %arg2[%dma_start3A_766, %dma_start3A_767] : memref<10000x128xf32, #tpu.memory_space<hbm>> -> memref<10000x128xf32, #tpu.memory_space<hbm>>
        tpu.enqueue_indirect_dma source(%dma_start3A_768 : memref<10000x128xf32, #tpu.memory_space<hbm>>) target(%dma_start3A_758 : memref<64x128xf32, #tpu.memory_space<vmem>>) offsets(%dma_start3A_765 : memref<64xi32, #tpu.memory_space<vmem>>) semaphore(%arg12 : memref<!tpu.dma_semaphore, #tpu.memory_space<semaphore_mem>>)
      } else {
      }
    }
    %scan3A_68 = arith.constant 40 : i32
    %dma_wait3A = arith.constant 3 : i32
    %dma_wait3A_69 = arith.constant 0 : i32
    %dma_wait3A_70 = arith.constant 0 : i32
    %dma_wait3A_71 = arith.constant 0 : i32
    %dma_wait3A_72 = arith.constant 0 : i32
    %dma_wait3A_73 = tpu.memref_slice %arg8[%dma_wait3A, %dma_wait3A_71, %dma_wait3A_72] : memref<4x64x128xf32, #tpu.memory_space<vmem>> -> memref<1x64x128xf32, #tpu.memory_space<vmem>>
    %dma_wait3A_74 = tpu.memref_squeeze %dma_wait3A_73 : memref<1x64x128xf32, #tpu.memory_space<vmem>> -> memref<64x128xf32, #tpu.memory_space<vmem>>
    %dma_wait3A_75 = arith.constant 0 : i32
    %dma_wait3A_76 = arith.constant 0 : i32
    %dma_wait3A_77 = tpu.memref_slice %arg6[%dma_wait3A_69, %dma_wait3A_75, %dma_wait3A_76] : memref<2x16x64xi32, #tpu.memory_space<vmem>> -> memref<1x16x64xi32, #tpu.memory_space<vmem>>
    %dma_wait3A_78 = tpu.memref_squeeze %dma_wait3A_77 : memref<1x16x64xi32, #tpu.memory_space<vmem>> -> memref<16x64xi32, #tpu.memory_space<vmem>>
    %dma_wait3A_79 = arith.constant 0 : i32
    %dma_wait3A_80 = tpu.memref_slice %dma_wait3A_78[%dma_wait3A_70, %dma_wait3A_79] : memref<16x64xi32, #tpu.memory_space<vmem>> -> memref<1x64xi32, #tpu.memory_space<vmem>>
    %dma_wait3A_81 = tpu.memref_squeeze %dma_wait3A_80 : memref<1x64xi32, #tpu.memory_space<vmem>> -> memref<64xi32, #tpu.memory_space<vmem>>
    %dma_wait3A_82 = arith.constant 0 : i32
    %dma_wait3A_83 = arith.constant 0 : i32
    %dma_wait3A_84 = tpu.memref_slice %arg9[%dma_wait3A_82, %dma_wait3A_83] : memref<10240x128xf32, #tpu.memory_space<vmem_shared>> -> memref<10240x128xf32, #tpu.memory_space<vmem_shared>>
    tpu.wait_indirect_dma semaphore(%arg17 : memref<!tpu.dma_semaphore, #tpu.memory_space<semaphore_mem>>) src(%dma_wait3A_74 : memref<64x128xf32, #tpu.memory_space<vmem>>) dst(%dma_wait3A_84 : memref<10240x128xf32, #tpu.memory_space<vmem_shared>>)
    "tpu.trace_stop"() : () -> ()
    %barrier3A_85 = arith.constant 0 : index
    tpu.barrier barrier_id(%barrier3A_85)
    "tpu.trace_start"() <{level = 10 : i32, message = "copy_out"}> : () -> ()
    %mul3A_86 = arith.constant 640 : i32
    %mul3A_87 = arith.muli %arg1, %mul3A_86 : i32
    "tpu.region"() ({
      %run_scoped3A_88 = tpu.sem_alloc : memref<!tpu.dma_semaphore, #tpu.memory_space<semaphore_mem>>
      %dma_start3A_89 = arith.constant 0 : i32
      %dma_start3A_90 = arith.constant 0 : i32
      %dma_start3A_91 = tpu.memref_slice %arg5[%arg0, %dma_start3A_89, %dma_start3A_90] : memref<2x10240x128xf32, #tpu.memory_space<hbm>> -> memref<1x10240x128xf32, #tpu.memory_space<hbm>>
      %dma_start3A_92 = tpu.memref_squeeze %dma_start3A_91 : memref<1x10240x128xf32, #tpu.memory_space<hbm>> -> memref<10240x128xf32, #tpu.memory_space<hbm>>
      %dma_start3A_93 = arith.constant 0 : i32
      %dma_start3A_94 = tpu.memref_slice %dma_start3A_92[%mul3A_87, %dma_start3A_93] : memref<10240x128xf32, #tpu.memory_space<hbm>> -> memref<640x128xf32, #tpu.memory_space<hbm>>
      %dma_start3A_95 = arith.constant 0 : i32
      %dma_start3A_96 = tpu.memref_slice %arg9[%mul3A_87, %dma_start3A_95] : memref<10240x128xf32, #tpu.memory_space<vmem_shared>> -> memref<640x128xf32, #tpu.memory_space<vmem_shared>>
      tpu.enqueue_dma source(%dma_start3A_96 : memref<640x128xf32, #tpu.memory_space<vmem_shared>>) target(%dma_start3A_94 : memref<640x128xf32, #tpu.memory_space<hbm>>) target_semaphore(%run_scoped3A_88 : memref<!tpu.dma_semaphore, #tpu.memory_space<semaphore_mem>>)
      %dma_wait3A_97 = arith.constant 0 : i32
      %dma_wait3A_98 = arith.constant 0 : i32
      %dma_wait3A_99 = tpu.memref_slice %arg5[%arg0, %dma_wait3A_97, %dma_wait3A_98] : memref<2x10240x128xf32, #tpu.memory_space<hbm>> -> memref<1x10240x128xf32, #tpu.memory_space<hbm>>
      %dma_wait3A_100 = tpu.memref_squeeze %dma_wait3A_99 : memref<1x10240x128xf32, #tpu.memory_space<hbm>> -> memref<10240x128xf32, #tpu.memory_space<hbm>>
      %dma_wait3A_101 = arith.constant 0 : i32
      %dma_wait3A_102 = tpu.memref_slice %dma_wait3A_100[%mul3A_87, %dma_wait3A_101] : memref<10240x128xf32, #tpu.memory_space<hbm>> -> memref<640x128xf32, #tpu.memory_space<hbm>>
      %dma_wait3A_103 = arith.constant 0 : i32
      %dma_wait3A_104 = tpu.memref_slice %arg9[%mul3A_87, %dma_wait3A_103] : memref<10240x128xf32, #tpu.memory_space<vmem_shared>> -> memref<640x128xf32, #tpu.memory_space<vmem_shared>>
      tpu.wait_dma2 semaphore(%run_scoped3A_88 : memref<!tpu.dma_semaphore, #tpu.memory_space<semaphore_mem>>) src(%dma_wait3A_104 : memref<640x128xf32, #tpu.memory_space<vmem_shared>>) dst(%dma_wait3A_102 : memref<640x128xf32, #tpu.memory_space<hbm>>)
      tpu.yield
    }) : () -> ()
    "tpu.trace_stop"() : () -> ()
    return
  }
}

module attributes {stable_mosaic.version = 14 : i64} {
  func.func @_combine_body(%arg0: i32, %arg1: memref<2000x128xf32, #tpu.memory_space<vmem>>, %arg2: memref<2x2000x128xf32, #tpu.memory_space<vmem>>, %arg3: memref<2000x128xf32, #tpu.memory_space<vmem>>) attributes {dimension_semantics = [#tpu.dimension_semantics<arbitrary>], iteration_bounds = array<i64: 5>, scalar_prefetch = 0 : i64, scratch_operands = 0 : i64, tpu.core_type = #tpu.core_type<tc>, window_params = [{transform_indices = @transform_0, window_bounds = array<i64: 2000, 128>}, {transform_indices = @transform_1, window_bounds = array<i64: 2, 2000, 128>}, {transform_indices = @transform_2, window_bounds = array<i64: 2000, 128>}]} {
    %get3A = arith.constant 0 : index
    %get3A_0 = arith.constant 0 : index
    %get3A_1 = vector.load %arg1[%get3A, %get3A_0] : memref<2000x128xf32, #tpu.memory_space<vmem>>, vector<2000x128xf32>
    %get3A_2 = arith.constant 0 : index
    %get3A_3 = arith.constant 0 : index
    %get3A_4 = arith.constant 0 : index
    %get3A_5 = vector.load %arg2[%get3A_2, %get3A_3, %get3A_4] : memref<2x2000x128xf32, #tpu.memory_space<vmem>>, vector<1x2000x128xf32>
    %get3A_6 = vector.shape_cast %get3A_5 : vector<1x2000x128xf32> to vector<2000x128xf32>
    %add3A = arith.addf %get3A_1, %get3A_6 : vector<2000x128xf32>
    %get3A_7 = arith.constant 1 : index
    %get3A_8 = arith.constant 0 : index
    %get3A_9 = arith.constant 0 : index
    %get3A_10 = vector.load %arg2[%get3A_7, %get3A_8, %get3A_9] : memref<2x2000x128xf32, #tpu.memory_space<vmem>>, vector<1x2000x128xf32>
    %get3A_11 = vector.shape_cast %get3A_10 : vector<1x2000x128xf32> to vector<2000x128xf32>
    %add3A_12 = arith.addf %add3A, %get3A_11 : vector<2000x128xf32>
    %swap3A = arith.constant 0 : index
    %swap3A_13 = arith.constant 0 : index
    %swap3A_14 = vector.load %arg3[%swap3A, %swap3A_13] : memref<2000x128xf32, #tpu.memory_space<vmem>>, vector<2000x128xf32>
    tpu.vector_store %arg3[%swap3A, %swap3A_13], %add3A_12 {strides = array<i32>} : memref<2000x128xf32, #tpu.memory_space<vmem>>, vector<2000x128xf32>,
    return
  }
  func.func @transform_0(%arg0: i32) -> (i32, i32) {
    %c0_i32 = arith.constant 0 : i32
    %c0_i32_0 = arith.constant 0 : i32
    return %arg0, %c0_i32 : i32, i32
  }
  func.func @transform_1(%arg0: i32) -> (i32, i32, i32) {
    %c0_i32 = arith.constant 0 : i32
    %c0_i32_0 = arith.constant 0 : i32
    %c0_i32_1 = arith.constant 0 : i32
    return %c0_i32, %arg0, %c0_i32_0 : i32, i32, i32
  }
  func.func @transform_2(%arg0: i32) -> (i32, i32) {
    %c0_i32 = arith.constant 0 : i32
    %c0_i32_0 = arith.constant 0 : i32
    return %arg0, %c0_i32 : i32, i32
  }
}

module attributes {stable_mosaic.version = 14 : i64} {
  func.func @_msg_body(%arg0: i32, %arg1: memref<2000x128xf32, #tpu.memory_space<vmem>>, %arg2: memref<128x128xf32, #tpu.memory_space<vmem>>, %arg3: memref<128x128xf32, #tpu.memory_space<vmem>>, %arg4: memref<2000x128xf32, #tpu.memory_space<vmem>>) attributes {dimension_semantics = [#tpu.dimension_semantics<arbitrary>], iteration_bounds = array<i64: 5>, scalar_prefetch = 0 : i64, scratch_operands = 0 : i64, tpu.core_type = #tpu.core_type<tc>, window_params = [{transform_indices = @transform_0, window_bounds = array<i64: 2000, 128>}, {pipeline_mode = #tpu.pipeline_mode<synchronous>, transform_indices = @transform_1, window_bounds = array<i64: 128, 128>}, {pipeline_mode = #tpu.pipeline_mode<synchronous>, transform_indices = @transform_2, window_bounds = array<i64: 128, 128>}, {transform_indices = @transform_3, window_bounds = array<i64: 2000, 128>}]} {
    %get3A = arith.constant 0 : index
    %get3A_0 = arith.constant 0 : index
    %get3A_1 = vector.load %arg1[%get3A, %get3A_0] : memref<2000x128xf32, #tpu.memory_space<vmem>>, vector<2000x128xf32>
    %get3A_2 = arith.constant 0 : index
    %get3A_3 = arith.constant 0 : index
    %get3A_4 = vector.load %arg2[%get3A_2, %get3A_3] : memref<128x128xf32, #tpu.memory_space<vmem>>, vector<128x128xf32>
    %dot_general3A = arith.constant dense<0.000000e+00> : vector<2000x128xf32>
    %dot_general3A_5 = tpu.matmul %get3A_1, %get3A_4, %dot_general3A {dimension_numbers = #tpu.dot_dimension_numbers<[1], [0], [0], [1], [0, 0, 1, 1], [], []>, transpose_lhs_hint = false} : vector<2000x128xf32>, vector<128x128xf32>, vector<2000x128xf32> -> vector<2000x128xf32>
    %get3A_6 = arith.constant 0 : index
    %get3A_7 = arith.constant 0 : index
    %get3A_8 = vector.load %arg3[%get3A_6, %get3A_7] : memref<128x128xf32, #tpu.memory_space<vmem>>, vector<128x128xf32>
    %dot_general3A_9 = arith.constant dense<0.000000e+00> : vector<2000x128xf32>
    %dot_general3A_10 = tpu.matmul %get3A_1, %get3A_8, %dot_general3A_9 {dimension_numbers = #tpu.dot_dimension_numbers<[1], [0], [0], [1], [0, 0, 1, 1], [], []>, transpose_lhs_hint = false} : vector<2000x128xf32>, vector<128x128xf32>, vector<2000x128xf32> -> vector<2000x128xf32>
    %logistic3A = arith.negf %dot_general3A_5 : vector<2000x128xf32>
    %logistic3A_11 = math.exp %logistic3A : vector<2000x128xf32>
    %logistic3A_12 = arith.constant 1.000000e+00 : f32
    %logistic3A_13 = vector.broadcast %logistic3A_12 : f32 to vector<2000x128xf32>
    %logistic3A_14 = arith.addf %logistic3A_13, %logistic3A_11 : vector<2000x128xf32>
    %logistic3A_15 = arith.divf %logistic3A_13, %logistic3A_14 : vector<2000x128xf32>
    %mul3A = arith.mulf %logistic3A_15, %dot_general3A_10 : vector<2000x128xf32>
    %swap3A = arith.constant 0 : index
    %swap3A_16 = arith.constant 0 : index
    %swap3A_17 = vector.load %arg4[%swap3A, %swap3A_16] : memref<2000x128xf32, #tpu.memory_space<vmem>>, vector<2000x128xf32>
    tpu.vector_store %arg4[%swap3A, %swap3A_16], %mul3A {strides = array<i32>} : memref<2000x128xf32, #tpu.memory_space<vmem>>, vector<2000x128xf32>,
    return
  }
  func.func @transform_0(%arg0: i32) -> (i32, i32) {
    %c0_i32 = arith.constant 0 : i32
    %c0_i32_0 = arith.constant 0 : i32
    return %arg0, %c0_i32 : i32, i32
  }
  func.func @transform_1(%arg0: i32) -> (i32, i32) {
    %c0_i32 = arith.constant 0 : i32
    %c0_i32_0 = arith.constant 0 : i32
    %c0_i32_1 = arith.constant 0 : i32
    return %c0_i32, %c0_i32_0 : i32, i32
  }
  func.func @transform_2(%arg0: i32) -> (i32, i32) {
    %c0_i32 = arith.constant 0 : i32
    %c0_i32_0 = arith.constant 0 : i32
    %c0_i32_1 = arith.constant 0 : i32
    return %c0_i32, %c0_i32_0 : i32, i32
  }
  func.func @transform_3(%arg0: i32) -> (i32, i32) {
    %c0_i32 = arith.constant 0 : i32
    %c0_i32_0 = arith.constant 0 : i32
    return %arg0, %c0_i32 : i32, i32
  }
}

</mosaic_0001>

<sc_bundles>
// kernel: kernel.5.cloned.1.call-start
scs
__scs_entry_jumppad:
0x0: {  	(pc) =	sbr.rel $0x88, $3  }
0x1: {  	(tag) =	ssettag $0x0;
	lr =	simm.s32 $0x1  }
0x2: {  	[smem:$0x3F9D] =	sst lr;
	_ =	strace $0xD0000000  }
0x3: {  	_ = 	snop  }
0x4: {  	_ = 	snop  }
0x5: {  	_ = 	snop  }
0x6: {  	_ = 	snop  }
0x7: {  	_ = 	snop  }
__scs_overlays_trampoline_lowered:
0x8: {  	[smem:$0x3FAC] =	sst s0  }
0x9: {  	[smem:$0x3FAD] =	sst s1  }
0xa: {  	[smem:$0x3FAE] =	sst s2  }
0xb: {  	[smem:$0x3FAF] =	sst s3  }
0xc: {  	[smem:$0x3FB0] =	sst s4  }
0xd: {  	[smem:$0x3FB1] =	sst s5  }
0xe: {  	[smem:$0x3FB2] =	sst s6  }
0xf: {  	[smem:$0x3FB3] =	sst s7  }
0x10: {  	[smem:$0x3FB4] =	sst s8  }
0x11: {  	[smem:$0x3FB5] =	sst s9;
	s0 =	simm.s32 @!p0 $0x0  }
0x12: {  	s1 =	sld [smem:$0x3F9B];
	s0 =	simm.s32 @p0 $0x1  }
0x13: {  	[smem:$0x3FB6] =	sst s0;
	s0 =	simm.s32 @!p1 $0x0  }
0x14: {  	s2 =	sld [smem:$0x3F9A];
	s0 =	simm.s32 @p1 $0x1  }
0x15: {  	[smem:$0x3FB7] =	sst s0;
	s0 =	simm.s32 @!p2 $0x0  }
0x16: {  	s3 =	sld [smem:$0x3FDB];
	s0 =	simm.s32 @p2 $0x1  }
0x17: {  	s4 =	simm.s32 $0x1BF5;
	[smem:$0x3FB9] =	sst s0  }
0x18: {  	s0 =	sld [smem:$0x3F9C];
	_ =	swait.ge [sflag:s4], $0x0  }
0x19: {  	s7 =	sld [smem:$0x3F9D]  }
0x1a: {  	s8 =	sadd.s32 $0xFFFFE003, lr  }
0x1b: {  	s9 =	sadd.s32 $0xFFFFFEF7, lr;
	s5 =	simm.s32 $0xFFFFFFFF;
	p2 =	slt.u32 s8, $0xFFFFF086  }
0x1c: {  	p1 =	slt.u32 s9, $0xF7A;
	s5 =	simm.s32 @!p2 $0x0  }
0x1d: {  	s5 =	simm.s32 @p1 $0x1;
	p0 =	seq.s32 s7, s2  }
0x1e: {  	s7 =	smul.u32 @!p0 $0xF7A, s2;
	p2 =	seq.s32 @!p0 s5, $0x0  }
0x1f: {  	s9 =	smul.u32 $0xF7A, s1;
	s8 =	simm.s32 @!p0 $0x1BF5;
	p2 =	por !p2, p0  }
0x20: {  	[sflag:s8] =	ssyncset.s32 @!p0 $0xFFFFF086;
	s6 =	sadd.s32 @!p0 s3, s7;
	s7 =	simm.s32 @!p0 $0x108  }
0x21: {  	s3 =	sadd.s32 s3, s9;
	s6 =	sadd.s32 @!p0 $0x88, s6;
	s7 =	simm.s32 @p2 $0x1082  }
0x22: {  	[simem:s7], [sflag:s8] =	dma.local @!p0 [hbm:s6], $0xF7A  }
0x23: {  	s9 =	sor.u32 $0xD0000000, s2;
	s6 =	simm.s32 $0x108;
	_ =	swait.ge @!p0 [sflag:s8], $0x0  }
0x24: {  	s3 =	sadd.s32 $0x88, s3;
	s6 =	simm.s32 @!p1 $0x1082;
	[sflag:s4] =	ssyncset.s32 $0xFFFFF086  }
0x25: {  	[simem:s6], [sflag:s4] =	dma.local [hbm:s3], $0xF7A  }
0x26: {  	[smem:$0x3F9D] =	sst s1;
	(tag) =	ssettag s2;
	_ =	strace s9  }
0x27: {  	s1 =	sld [smem:$0x3FAD]  }
0x28: {  	s2 =	sld [smem:$0x3FAE]  }
0x29: {  	s4 =	sld [smem:$0x3FB0]  }
0x2a: {  	p0 =	seq.s32 s5, $0x0;
	s5 =	sld [smem:$0x3FB1]  }
0x2b: {  	s6 =	sld [smem:$0x3FB2]  }
0x2c: {  	s7 =	sld [smem:$0x3FB3]  }
0x2d: {  	s3 =	simm.s32 $0x108;
	s8 =	sld [smem:$0x3FB4]  }
0x2e: {  	s3 =	simm.s32 @!p0 $0x1082;
	s9 =	sld [smem:$0x3FB5]  }
0x2f: {  	lr =	sadd.s32 s0, s3;
	s0 =	sld [smem:$0x3FAC]  }
0x30: {  	s3 =	sld [smem:$0x3FAF]  }
0x31: {  	[smem:$0x3FB8] =	sst s10  }
0x32: {  	s10 =	sld [smem:$0x3FB6];
	_ =	sdelay $0x3  }
0x33: {  	p0 =	seq.s32 s10, $0x1;
	s10 =	sld [smem:$0x3FB8];
	_ =	sdelay $0x3  }
0x34: {  	[smem:$0x3FB8] =	sst s10  }
0x35: {  	s10 =	sld [smem:$0x3FB7];
	_ =	sdelay $0x3  }
0x36: {  	p1 =	seq.s32 s10, $0x1;
	s10 =	sld [smem:$0x3FB8];
	_ =	sdelay $0x3  }
0x37: {  	[smem:$0x3FB8] =	sst s10  }
0x38: {  	s10 =	sld [smem:$0x3FB9]  }
0x39: {  	_ = 	snop;
	(pc) =	sbr.ind lr, $3  }
0x3a: {  	_ = 	snop  }
0x3b: {  	_ = 	snop  }
0x3c: {  	p2 =	seq.s32 s10, $0x1;
	s10 =	sld [smem:$0x3FB8]  }
0x3d: {  	_ =	shalt  }
0x3e: {  	_ =	shalt  }
0x3f: {  	_ =	shalt  }
0x40: {  	_ =	shalt  }
0x41: {  	_ =	shalt  }
0x42: {  	_ =	shalt  }
0x43: {  	_ =	shalt  }
0x44: {  	_ =	shalt  }
0x45: {  	_ =	shalt  }
0x46: {  	_ =	shalt  }
0x47: {  	_ =	shalt  }
0x48: {  	_ =	shalt  }
0x49: {  	_ =	shalt  }
0x4a: {  	_ =	shalt  }
0x4b: {  	_ =	shalt  }
0x4c: {  	_ =	shalt  }
0x4d: {  	_ =	shalt  }
0x4e: {  	_ =	shalt  }
0x4f: {  	_ =	shalt  }
0x50: {  	_ =	shalt  }
0x51: {  	_ =	shalt  }
0x52: {  	_ =	shalt  }
0x53: {  	_ =	shalt  }
0x54: {  	_ =	shalt  }
0x55: {  	_ =	shalt  }
0x56: {  	_ =	shalt  }
0x57: {  	_ =	shalt  }
0x58: {  	_ =	shalt  }
0x59: {  	_ =	shalt  }
0x5a: {  	_ =	shalt  }
0x5b: {  	_ =	shalt  }
0x5c: {  	_ =	shalt  }
0x5d: {  	_ =	shalt  }
0x5e: {  	_ =	shalt  }
0x5f: {  	_ =	shalt  }
0x60: {  	_ =	shalt  }
0x61: {  	_ =	shalt  }
0x62: {  	_ =	shalt  }
0x63: {  	_ =	shalt  }
0x64: {  	_ =	shalt  }
0x65: {  	_ =	shalt  }
0x66: {  	_ =	shalt  }
0x67: {  	_ =	shalt  }
0x68: {  	_ =	shalt  }
0x69: {  	_ =	shalt  }
0x6a: {  	_ =	shalt  }
0x6b: {  	_ =	shalt  }
0x6c: {  	_ =	shalt  }
0x6d: {  	_ =	shalt  }
0x6e: {  	_ =	shalt  }
0x6f: {  	_ =	shalt  }
0x70: {  	_ =	shalt  }
0x71: {  	_ =	shalt  }
0x72: {  	_ =	shalt  }
0x73: {  	_ =	shalt  }
0x74: {  	_ =	shalt  }
0x75: {  	_ =	shalt  }
0x76: {  	_ =	shalt  }
0x77: {  	_ =	shalt  }
0x78: {  	_ =	shalt  }
0x79: {  	_ =	shalt  }
0x7a: {  	_ =	shalt  }
0x7b: {  	_ =	shalt  }
0x7c: {  	_ =	shalt  }
0x7d: {  	_ =	shalt  }
0x7e: {  	_ =	shalt  }
0x7f: {  	_ =	shalt  }
0x80: {  	_ =	shalt  }
0x81: {  	_ =	shalt  }
0x82: {  	_ =	shalt  }
0x83: {  	_ =	shalt  }
0x84: {  	_ =	shalt  }
0x85: {  	_ =	shalt  }
0x86: {  	_ =	shalt  }
0x87: {  	_ =	shalt  }
.Lfunc_end0:
.L_simem_size_0:
called_computation_lowered:
.L_overlay_start_0:
0x88: {  	s2 =	sld [smem:$0x3FD9]  }
0x89: {  	s3 =	sld [smem:$0x3FFE];
	_ =	sdelay $0x1  }
0x8a: {  	s1 =	srdreg.scid  }
0x8b: {  	s0 =	sand.u32 $0x1, s1  }
0x8c: {  	s17 =	sshll.u32 s0, $0xA;
	s2 =	sadd.s32 s3, s2  }
0x8d: {  	s2 =	sadd.s32 s2, s17  }
0x8e: {  	[smem:$0x3FC4] =	sst s2  }
0x8f: {  	_ = 	snop  }
0x90: {  	s2 =	sld [smem:$0x3FD0];
	(tm) =	ssettm $0x1  }
0x91: {  	s18 =	sld [smem:$0x3FFB];
	_ =	sdelay $0x3  }
0x92: {  	_ =	strace s18  }
0x93: {  	s3 =	sld [smem:$0x3FFC];
	_ =	sdelay $0x3  }
0x94: {  	_ =	strace s3  }
0x95: {  	s3 =	sld [smem:$0x3FFD];
	_ =	sdelay $0x3  }
0x96: {  	_ =	strace s3  }
0x97: {  	_ =	strace $0x8FFFFFFF  }
0x98: {  	s19 =	sld [smem:$0x3FDB];
	_ =	sdelay $0x1  }
0x99: {  	s4 =	simm.s32 $_scs_section_size  }
0x9a: {  	s5 =	simm.s32 $_size__tile_overlayer_lowered;
	s6 =	simm.s32 $_tile_overlayer_lowered  }
0x9b: {  	s22 =	simm.s32 $0x1BFF;
	s21 =	sshll.u32 s6, $0x1;
	s3 =	sadd.s32 s4, s19  }
0x9c: {  	s7 =	simm.s32 $0x0;
	s20 =	sshll.u32 s5, $0x1;
	s5 =	sadd.s32 s21, s3  }
0x9d: {  	[timem:s7], [sflag:s22] =	dma.local [hbm:s5], s20  }
0x9e: {  	_ =	swait.ge [sflag:s22], s20  }
0x9f: {  	s4 =	ssub.s32 $0x0, s20;
	[sflag:s22] =	ssyncset.done $0x0  }
0xa0: {  	[sflag:s22] =	ssyncadd.s32 s4;
	_ =	sdelay $0x1  }
0xa1: {  	s23 =	simm.s32 $0x1B8B  }
0xa2: {  	_ =	swait.ge [sflag:s23], $0x1  }
0xa3: {  	[sflag:s23] =	ssyncset.done $0x0  }
0xa4: {  	s25 =	simm.s32 $0x1B8E;
	s24 =	sld [smem:$0x3FFE];
	[sflag:s23] =	ssyncadd.s32 $0xFFFFFFFF  }
0xa5: {  	s26 =	simm.s32 $execute0_lowered;
	[smem:$0x3FD2] =	sst s25  }
0xa6: {  	s5 =	sshll.u32 s26, $0x1;
	_ =	strace $0x80000046;
	[dreg:$0x1] =	wrdreg $0xFFFFFFFF  }
0xa7: {  	s28 =	simm.s32 $_size_execute0_lowered;
	s3 =	sadd.s32 s3, s5;
	[dreg:$0x0] =	wrdreg $0x0  }
0xa8: {  	s5 =	sshll.u32 s28, $0x1;
	[dreg:$0x2] =	wrdreg s3  }
0xa9: {  	[dreg:$0x3] =	wrdreg s5  }
0xaa: {  	[dreg:$0x4] =	wrdreg $0xC0  }
0xab: {  	_ =	task [dreg:s7], $0x5FFFF  }
0xac: {  	[dreg:$0x1] =	wrdreg $0xFFFFFFFF  }
0xad: {  	[dreg:$0x0] =	wrdreg $0x60  }
0xae: {  	[dreg:$0x2] =	wrdreg s2  }
0xaf: {  	[dreg:$0x3] =	wrdreg s24  }
0xb0: {  	[dreg:$0x4] =	wrdreg $0xA0000  }
0xb1: {  	[dreg:$0x5] =	wrdreg $0x9  }
0xb2: {  	_ =	task.clear_ibuf [dreg:s7], $0x6FFFF;
	_ =	strace $0x90000046  }
0xb3: {  	s29 =	simm.s32 $0x9;
	_ =	strace $0x8000004C  }
0xb4: {  	_ =	swait.ge [sflag:s29], $0x1  }
0xb5: {  	[sflag:s29] =	ssyncadd.s32 $0xFFFFFFFF  }
0xb6: {  	_ =	strace $0x9000004C  }
0xb7: {  	_ =	sfence  }
0xb8: {  	s30 =	sld [smem:$0x0];
	_ =	sdelay $0x2  }
0xb9: {  	s31 =	sshll.u32 s1, $0xD;
	s1 =	sshrl.u32 s1, $0x2  }
0xba: {  	s3 =	sand.u32 $0x4000, s31;
	s1 =	sadd.s32 s1, s30  }
0xbb: {  	s0 =	sor.u32 s3, s0;
	s1 =	sshll.u32 s1, $0x11  }
0xbc: {  	s0 =	sor.u32 s1, s0  }
0xbd: {  	s0 =	sadd.s32 $0x8F2B, s0  }
0xbe: {  	[sflag:s0] =	ssyncadd.remote.s32 $0x1  }
0xbf: {  	_ =	sfence.sel $0xFFFF  }
0xc0: {  	[dreg:$0x0] =	wrdreg $0xFFFFFFFF;
	(pc) =	sbr.abs _section_cstart, $3  }
0xc1: {  	[dreg:$0x1] =	wrdreg $0xFFFFFFFF  }
0xc2: {  	_ =	task.clear_ibuf [dreg:s7], $0x2FFFF;
	_ =	strace $0x9FFFFFFF  }
0xc3: {  	(tm) =	ssettm $0x7FFFFFFF  }
tec
execute0_lowered:
.L_overlay_start_1:
0x0: {  	(tag) =	ssettag $0x1  }
0x1: {  	s0 =	srdreg.scid;
	s1 =	rddreg [dreg:$0x0]  }
0x2: {  	s2 =	rddreg [dreg:$0x1];
	s9 =	stileid.u32  }
0x3: {  	s3 =	rddreg [dreg:$0x2];
	s28 =	simm.s32 $0x1;
	s0 =	sand.u32 $0x1, s0  }
0x4: {  	s29 =	simm.s32 $0x8000;
	s6 =	smul.u32 $0x50000, s9;
	s4 =	sshll.u32 s0, $0x4  }
0x5: {  	s7 =	smul.u32 $0x28000, s0;
	s0 =	ssub.s32 $0x2, s0;
	s5 =	sor.u32 s9, s4  }
0x6: {  	s4 =	simm.s32 $0x0;
	s16 =	sshrl.u32 s0, $0x1;
	s5 =	smul.u32 $0xA00, s5  }
0x7: {  	s6 =	sshrl.u32 s6, $0x2;
	[smem:$0x7FF] =	sst s4;
	s0 =	ssub.s32 s0, s16  }
0x8: {  	s0 =	smax.u32 s0, $0x1;
	s8 =	sadd.s32 s5, s2;
	s5 =	sadd.s32 s6, s3  }
0x9: {  	_ =	strace $0x80000047;
	[dreg:$0x4] =	wrdreg s0;
	s18 =	sadd.s32 $0x2000, s5  }
0xa: {  	s30 =	simm.s32 $0x2;
	s19 =	sadd.s32 $0x4000, s5;
	[dreg:$0x5] =	wrdreg s18  }
0xb: {  	s31 =	simm.s32 $0x5;
	s20 =	sadd.s32 $0x6000, s5;
	[dreg:$0x6] =	wrdreg s19  }
0xc: {  	s17 =	smul.u32 $0x2800, s9;
	s21 =	sadd.s32 $0x8000, s5;
	[dreg:$0x7] =	wrdreg s20  }
0xd: {  	s9 =	simm.s32 $0x0;
	s22 =	sadd.s32 $0xA000, s5;
	[dreg:$0x8] =	wrdreg s21  }
0xe: {  	s2 =	sadd.s32 s7, s2;
	s23 =	sadd.s32 $0xC000, s5;
	[dreg:$0x9] =	wrdreg s22  }
0xf: {  	s0 =	simm.s32 $0x6;
	s24 =	sadd.s32 $0xE000, s5;
	[dreg:$0xa] =	wrdreg s23  }
0x10: {  	s6 =	sadd.s32 $0x1400, s8;
	s25 =	sadd.s32 $0x10000, s5;
	[dreg:$0xb] =	wrdreg s24  }
0x11: {  	s7 =	sadd.s32 $0x15400, s8;
	s26 =	sadd.s32 $0x12000, s5;
	[dreg:$0xc] =	wrdreg s25  }
0x12: {  	s2 =	sadd.s32 $0x29400, s2;
	s8 =	simm.s32 $0x8;
	[dreg:$0xd] =	wrdreg s26  }
0x13: {  	s18 =	simm.s32 $0x2000;
	s19 =	simm.s32 $0xA;
	s21 =	simm.s32 $0x40  }
0x14: {  	s23 =	simm.s32 $0x4000;
	s24 =	sadd.s32 s17, s2;
	s26 =	simm.s32 $0x6000  }
0x15: {  	v0 =	vimm.f32 $0.0e+00;
	s2 =	simm.s32 $0x3;
	s22 =	simm.s32 $0x4;
	s25 =	simm.s32 $0x7  }
.LBB2_1:
0x16: {  	_ =	strace $0x80000048;
	s10 =	simm.s32 $0x0;
	s11 =	simm.s32 $0x200  }
.LBB2_2:
0x17: {  	p0 =	seq.s32 s11, $0x7E00;
	[tilespmem:s10+$0x2070] =	vst v0  }
0x18: {  	[tilespmem:s10+$0x2000] =	vst v0  }
0x19: {  	[tilespmem:s10+$0x2010] =	vst v0  }
.Ltmp0:
0x1a: {  	[tilespmem:s10+$0x2020] =	vst v0;
	(pc) =	sbr.rel @!p0 .LBB2_2-.Ltmp0, $4  }
0x1b: {  	[tilespmem:s10+$0x2030] =	vst v0  }
0x1c: {  	[tilespmem:s10+$0x2040] =	vst v0  }
0x1d: {  	[tilespmem:s10+$0x2050] =	vst v0  }
0x1e: {  	[tilespmem:s10+$0x2060] =	vst v0;
	s10 =	sshra.s32 s11, $0x2;
	s11 =	sadd.s32 $0x200, s11  }
0x1f: {  	[tilespmem:s10+$0x2070] =	vst v0  }
0x20: {  	[tilespmem:s10+$0x2000] =	vst v0  }
0x21: {  	[tilespmem:s10+$0x2010] =	vst v0  }
0x22: {  	[tilespmem:s10+$0x2020] =	vst v0  }
0x23: {  	[tilespmem:s10+$0x2030] =	vst v0  }
0x24: {  	[tilespmem:s10+$0x2040] =	vst v0  }
0x25: {  	[tilespmem:s10+$0x2050] =	vst v0  }
0x26: {  	[tilespmem:s10+$0x2060] =	vst v0  }
0x27: {  	[spmem:s5] =	stream.linear.scatter [tilespmem:s18], [sflag:$0xA], $0x2000, $0x200038;
	[tilespmem:$0x1E000] =	vst v63  }
0x28: {  	_ =	swait.ge [sflag:s19], $0x2000  }
0x29: {  	[sflag:s19] =	ssyncset.done $0x0  }
0x2a: {  	s16 =	rddreg [dreg:$0x5];
	[sflag:s19] =	ssyncadd.s32 $0xFFFFE000  }
0x2b: {  	[spmem:s16] =	stream.linear.scatter [tilespmem:s18], [sflag:$0xA], $0x2000, $0x200038;
	[tilespmem:$0x1E000] =	vst v63  }
0x2c: {  	_ =	swait.ge [sflag:s19], $0x2000  }
0x2d: {  	[sflag:s19] =	ssyncset.done $0x0  }
0x2e: {  	s17 =	rddreg [dreg:$0x6];
	[sflag:s19] =	ssyncadd.s32 $0xFFFFE000  }
0x2f: {  	[spmem:s17] =	stream.linear.scatter [tilespmem:s18], [sflag:$0xA], $0x2000, $0x200038;
	[tilespmem:$0x1E000] =	vst v63  }
0x30: {  	_ =	swait.ge [sflag:s19], $0x2000  }
0x31: {  	[sflag:s19] =	ssyncset.done $0x0  }
0x32: {  	s20 =	rddreg [dreg:$0x7];
	[sflag:s19] =	ssyncadd.s32 $0xFFFFE000  }
0x33: {  	[spmem:s20] =	stream.linear.scatter [tilespmem:s18], [sflag:$0xA], $0x2000, $0x200038;
	[tilespmem:$0x1E000] =	vst v63  }
0x34: {  	_ =	swait.ge [sflag:s19], $0x2000  }
0x35: {  	[sflag:s19] =	ssyncset.done $0x0  }
0x36: {  	s11 =	rddreg [dreg:$0x8];
	[sflag:s19] =	ssyncadd.s32 $0xFFFFE000  }
0x37: {  	[spmem:s11] =	stream.linear.scatter [tilespmem:s18], [sflag:$0xA], $0x2000, $0x200038;
	[tilespmem:$0x1E000] =	vst v63  }
0x38: {  	_ =	swait.ge [sflag:s19], $0x2000  }
0x39: {  	[sflag:s19] =	ssyncset.done $0x0  }
0x3a: {  	s12 =	rddreg [dreg:$0x9];
	[sflag:s19] =	ssyncadd.s32 $0xFFFFE000  }
0x3b: {  	[spmem:s12] =	stream.linear.scatter [tilespmem:s18], [sflag:$0xA], $0x2000, $0x200038;
	[tilespmem:$0x1E000] =	vst v63  }
0x3c: {  	_ =	swait.ge [sflag:s19], $0x2000  }
0x3d: {  	[sflag:s19] =	ssyncset.done $0x0  }
0x3e: {  	s13 =	rddreg [dreg:$0xa];
	[sflag:s19] =	ssyncadd.s32 $0xFFFFE000  }
0x3f: {  	[spmem:s13] =	stream.linear.scatter [tilespmem:s18], [sflag:$0xA], $0x2000, $0x200038;
	[tilespmem:$0x1E000] =	vst v63  }
0x40: {  	_ =	swait.ge [sflag:s19], $0x2000  }
0x41: {  	[sflag:s19] =	ssyncset.done $0x0  }
0x42: {  	s14 =	rddreg [dreg:$0xb];
	[sflag:s19] =	ssyncadd.s32 $0xFFFFE000  }
0x43: {  	[spmem:s14] =	stream.linear.scatter [tilespmem:s18], [sflag:$0xA], $0x2000, $0x200038;
	[tilespmem:$0x1E000] =	vst v63  }
0x44: {  	_ =	swait.ge [sflag:s19], $0x2000  }
0x45: {  	[sflag:s19] =	ssyncset.done $0x0  }
0x46: {  	s15 =	rddreg [dreg:$0xc];
	[sflag:s19] =	ssyncadd.s32 $0xFFFFE000  }
0x47: {  	[spmem:s15] =	stream.linear.scatter [tilespmem:s18], [sflag:$0xA], $0x2000, $0x200038;
	[tilespmem:$0x1E000] =	vst v63  }
0x48: {  	_ =	swait.ge [sflag:s19], $0x2000  }
0x49: {  	[sflag:s19] =	ssyncset.done $0x0  }
0x4a: {  	s16 =	rddreg [dreg:$0xd];
	[sflag:s19] =	ssyncadd.s32 $0xFFFFE000  }
0x4b: {  	[spmem:s16] =	stream.linear.scatter [tilespmem:s18], [sflag:$0xA], $0x2000, $0x200038;
	[tilespmem:$0x1E000] =	vst v63  }
0x4c: {  	_ =	swait.ge [sflag:s19], $0x2000  }
0x4d: {  	[sflag:s19] =	ssyncset.done $0x0  }
0x4e: {  	[sflag:s19] =	ssyncadd.s32 $0xFFFFE000  }
0x4f: {  	[bflag:$0x0] =	sbarrier.arrive $0xFFFF  }
0x50: {  	_ =	strace $0x90000048  }
0x51: {  	s10 =	simm.s32 $0x0;
	_ =	strace $0x80000049  }
0x52: {  	[tilespmem:s10], [sflag:$0xA] =	stream.linear.gather [hbm4b:s6+s10], $0x800, $0x200038;
	[tilespmem:$0x1E000] =	vst v63  }
0x53: {  	_ =	swait.ge [sflag:s19], $0x800  }
0x54: {  	[sflag:s19] =	ssyncset.done $0x0  }
0x55: {  	s11 =	simm.s32 $0x1000;
	[sflag:s19] =	ssyncadd.s32 $0xFFFFF800  }
0x56: {  	[tilespmem:s11], [sflag:$0xA] =	stream.linear.gather [hbm4b:s7+s10], $0x800, $0x200038;
	[tilespmem:$0x1E000] =	vst v63  }
0x57: {  	_ =	swait.ge [sflag:s19], $0x800  }
0x58: {  	[sflag:s19] =	ssyncset.done $0x0  }
0x59: {  	[sflag:s19] =	ssyncadd.s32 $0xFFFFF800  }
0x5a: {  	_ =	strace $0x90000049  }
0x5b: {  	_ =	strace $0x8000004A  }
0x5c: {  	[tilespmem:s18], [sflag:$0x1] =	stream.indirect.gather [hbm4b:s1+s21], $0x80, s11, s21, $0x2000b8;
	[tilespmem:$0x1E000] =	vst v63  }
.Ltmp1:
0x5d: {  	_ = 	snop;
	(pc) =	sbr.rel .LBB2_4-.Ltmp1, $4  }
0x5e: {  	s17 =	simm.s32 $0x1080  }
0x5f: {  	[tilespmem:s23], [sflag:$0x2] =	stream.indirect.gather [hbm4b:s1+s21], $0x80, s17, s21, $0x2000b8;
	[tilespmem:$0x1E000] =	vst v63  }
0x60: {  	s20 =	simm.s32 $0x1100;
	s12 =	simm.s32 $0x0;
	s11 =	simm.s32 $0x300  }
0x61: {  	[tilespmem:s26], [sflag:$0x3] =	stream.indirect.gather [hbm4b:s1+s21], $0x80, s20, s21, $0x2000b8;
	[tilespmem:$0x1E000] =	vst v63  }
.LBB2_5:
0x62: {  	s14 =	sshll.u32 s14, $0x8  }
0x63: {  	s14 =	sadd.s32 $0x100, s14  }
0x64: {  	s15 =	sxor.u32 $0x800, s15;
	s16 =	sadd.s32 s6, s14  }
0x65: {  	[tilespmem:s15], [sflag:$0x9] =	stream.linear.gather [hbm4b:s16+s4], $0x800, $0x200038;
	[tilespmem:$0x1E000] =	vst v63  }
0x66: {  	s14 =	sadd.s32 s7, s14;
	s15 =	sor.u32 $0x1000, s15  }
0x67: {  	[tilespmem:s15], [sflag:$0x9] =	stream.linear.gather [hbm4b:s14+s4], $0x800, $0x200038;
	[tilespmem:$0x1E000] =	vst v63  }
.LBB2_7:
0x68: {  	s14 =	sadd.s32 $0xFFFFFF80, s11  }
0x69: {  	s14 =	sand.u32 $0xE80, s14  }
0x6a: {  	s14 =	sor.u32 $0x1000, s14  }
0x6b: {  	[tilespmem:s23], [sflag:$0x2] =	stream.indirect.gather [hbm4b:s1+s21], $0x80, s14, s21, $0x2000b8;
	[tilespmem:$0x1E000] =	vst v63  }
0x6c: {  	_ =	swait.ge [sflag:s22], $0x2000  }
0x6d: {  	[sflag:s22] =	ssyncset.done $0x0  }
0x6e: {  	[sflag:s22] =	ssyncadd.s32 $0xFFFFE000  }
0x6f: {  	_ =	swait.ge [sflag:s25], $0x2000  }
0x70: {  	[sflag:s25] =	ssyncset.done $0x0  }
0x71: {  	s20 =	sand.u32 $0xF00, s11;
	s12 =	sadd.s32 $0x1, s12;
	[sflag:s25] =	ssyncadd.s32 $0xFFFFE000  }
0x72: {  	[spmem:s3] =	stream.indirect.scatter.add.f32 [tilespmem:s29], [sflag:$0x8], $0x80, s13, s21, $0x2000b8;
	[tilespmem:$0x1E000] =	vst v63  }
0x73: {  	s10 =	sadd.s32 $0x4, s10;
	s11 =	sadd.s32 $0x200, s11;
	s13 =	sor.u32 $0x1000, s20  }
0x74: {  	[tilespmem:s26], [sflag:$0x3] =	stream.indirect.gather [hbm4b:s1+s21], $0x80, s13, s21, $0x2000b8;
	[tilespmem:$0x1E000] =	vst v63  }
.LBB2_4:
0x75: {  	_ =	swait.ge [sflag:s28], $0x2000  }
0x76: {  	p0 =	seq.s32 s12, $0x0;
	[sflag:s28] =	ssyncset.done $0x0  }
0x77: {  	s20 =	sand.u32 $0xC, s10;
	s13 =	simm.s32 @!p0 $0x8;
	[sflag:s28] =	ssyncadd.s32 $0xFFFFE000  }
0x78: {  	s14 =	sadd.s32 $0xFFFFFD00, s11;
	s15 =	sshll.u32 s20, $0x9;
	_ =	swait.ge @!p0 [sflag:s13], $0x2000  }
0x79: {  	s16 =	sand.u32 $0x800, s14;
	s17 =	sshrl.u32 s15, $0x2;
	[sflag:s13] =	ssyncset.done @!p0 $0x0  }
0x7a: {  	s15 =	sor.u32 s17, s16;
	[sflag:s13] =	ssyncadd.s32 @!p0 $0xFFFFE000;
	p0 =	sgt.u32 s12, $0x23  }
0x7b: {  	[spmem:s3] =	stream.indirect.scatter.add.f32 [tilespmem:s18], [sflag:$0x5], $0x80, s15, s21, $0x2000b8;
	[tilespmem:$0x1E000] =	vst v63  }
0x7c: {  	p1 =	sne.s32 @!p0 s20, $0xC  }
0x7d: {  	p1 =	por p1, p0  }
0x7e: {  	s15 =	simm.s32 @!p1 $0x9  }
0x7f: {  	_ =	swait.ge @!p1 [sflag:s15], $0x800  }
0x80: {  	[sflag:s15] =	ssyncset.done @!p1 $0x0  }
0x81: {  	s14 =	sand.u32 $0x600, s14;
	[sflag:s15] =	ssyncadd.s32 @!p1 $0xFFFFF800  }
0x82: {  	s13 =	sor.u32 $0x180, s14;
	_ =	swait.ge @!p1 [sflag:s15], $0x800  }
0x83: {  	s13 =	sadd.s32 s13, s16;
	[sflag:s15] =	ssyncset.done @!p1 $0x0  }
0x84: {  	[sflag:s15] =	ssyncadd.s32 @!p1 $0xFFFFF800;
	s15 =	sadd.s32 $0x1000, s13  }
0x85: {  	[tilespmem:s29], [sflag:$0x4] =	stream.indirect.gather [hbm4b:s1+s21], $0x80, s15, s21, $0x2000b8;
	[tilespmem:$0x1E000] =	vst v63  }
0x86: {  	_ =	swait.ge [sflag:s30], $0x2000  }
0x87: {  	[sflag:s30] =	ssyncset.done $0x0  }
0x88: {  	[sflag:s30] =	ssyncadd.s32 $0xFFFFE000  }
0x89: {  	_ =	swait.ge [sflag:s31], $0x2000  }
0x8a: {  	s14 =	sadd.s32 s14, s16;
	[sflag:s31] =	ssyncset.done $0x0  }
0x8b: {  	s14 =	sadd.s32 $0x80, s14;
	p1 =	seq.s32 s12, $0x27;
	[sflag:s31] =	ssyncadd.s32 $0xFFFFE000  }
0x8c: {  	[spmem:s3] =	stream.indirect.scatter.add.f32 [tilespmem:s23], [sflag:$0x6], $0x80, s14, s21, $0x2000b8;
	[tilespmem:$0x1E000] =	vst v63  }
0x8d: {  	s14 =	sadd.s32 @!p1 $0xFFFFFF00, s11  }
0x8e: {  	s14 =	sand.u32 @!p1 $0xE00, s14  }
0x8f: {  	s15 =	simm.s32 @!p1 $0x40;
	s16 =	simm.s32 @!p1 $0x2000;
	s14 =	sor.u32 @!p1 $0x1000, s14  }
0x90: {  	[tilespmem:s16], [sflag:$0x1] =	stream.indirect.gather @!p1 [hbm4b:s1+s15], $0x80, s14, s15, $0x2000b8;
	[tilespmem:$0x1E000] =	vst v63  }
0x91: {  	p2 =	sne.s32 @!p0 s20, $0x0;
	_ =	swait.ge [sflag:s2], $0x2000  }
0x92: {  	p0 =	por p0, p2;
	s14 =	sshrl.u32 s12, $0x2;
	[sflag:s2] =	ssyncset.done $0x0  }
.Ltmp2:
0x93: {  	s16 =	sand.u32 $0x1, s14;
	[sflag:s2] =	ssyncadd.s32 $0xFFFFE000;
	(pc) =	sbr.rel @!p0 .LBB2_5-.Ltmp2, $4  }
0x94: {  	s15 =	sshll.u32 s16, $0xB;
	_ =	swait.ge [sflag:s0], $0x2000  }
0x95: {  	s17 =	sor.u32 s17, s15;
	[sflag:s0] =	ssyncset.done $0x0  }
0x96: {  	s16 =	sadd.s32 $0x100, s17;
	[sflag:s0] =	ssyncadd.s32 $0xFFFFE000  }
0x97: {  	[spmem:s3] =	stream.indirect.scatter.add.f32 [tilespmem:s26], [sflag:$0x7], $0x80, s16, s21, $0x2000b8;
	[tilespmem:$0x1E000] =	vst v63  }
.Ltmp3:
0x98: {  	(pc) =	sbr.rel @!p1 .LBB2_7-.Ltmp3, $1  }
0x99: {  	_ =	sdelay $0x3  }
0x9a: {  	_ =	swait.ge [sflag:s22], $0x2000  }
0x9b: {  	[sflag:s22] =	ssyncset.done $0x0  }
0x9c: {  	[sflag:s22] =	ssyncadd.s32 $0xFFFFE000  }
0x9d: {  	_ =	swait.ge [sflag:s25], $0x2000  }
0x9e: {  	[sflag:s25] =	ssyncset.done $0x0  }
0x9f: {  	[sflag:s25] =	ssyncadd.s32 $0xFFFFE000  }
0xa0: {  	[spmem:s3] =	stream.indirect.scatter.add.f32 [tilespmem:s29], [sflag:$0x8], $0x80, s13, s21, $0x2000b8;
	[tilespmem:$0x1E000] =	vst v63  }
0xa1: {  	_ =	swait.ge [sflag:s8], $0x2000  }
0xa2: {  	[sflag:s8] =	ssyncset.done $0x0  }
0xa3: {  	[sflag:s8] =	ssyncadd.s32 $0xFFFFE000  }
0xa4: {  	s10 =	stileid.u32;
	_ =	strace $0x9000004A  }
0xa5: {  	s10 =	sshll.u32 s10, $0x6;
	[bflag:$0x0] =	sbarrier.arrive $0xFFFF  }
0xa6: {  	s11 =	sshrl.u32 s5, $0x3;
	s10 =	sor.u32 $0x1C0A, s10;
	_ =	strace $0x8000004B  }
0xa7: {  	[hbm:s24], [sflag:s10] =	dma.local [spmem:s11], $0x2800  }
0xa8: {  	_ =	swait.ge [sflag:s19], $0x2800  }
0xa9: {  	s9 =	sadd.s32 $0x1, s9;
	s20 =	rddreg [dreg:$0x4]  }
0xaa: {  	p0 =	sne.s32 s9, s20  }
.Ltmp4:
0xab: {  	_ = 	snop;
	(pc) =	sbr.rel @p0 .LBB2_1-.Ltmp4, $4  }
0xac: {  	_ = 	snop  }
0xad: {  	[sflag:s19] =	ssyncset.done $0x0  }
0xae: {  	[sflag:s19] =	ssyncadd.s32 $0xFFFFD800  }
0xaf: {  	_ =	strace $0x9000004B  }
0xb0: {  	_ =	sfence.sel $0x180000  }
0xb1: {  	[bflag:$0x0] =	sbarrier.arrive $0xFFFF  }
0xb2: {  	_ =	strace $0x90000047  }
0xb3: {  	s0 =	stileid.u32;
	[bflag:$0x2] =	sbarrier.arrive $0xFFFF  }
0xb4: {  	p0 =	sne.s32 s0, $0x0;
	s0 =	rddreg [dreg:$0x3]  }
0xb5: {  	s0 =	sadd.s32 @!p0 $0x100000, s0  }
0xb6: {  	[sflag:s0] =	ssyncadd.tile.s32 @!p0 $0x1;
	_ =	shalt  }
.Lfunc_end2:
_tile_overlayer_lowered:
.L_overlay_start_2:
0xb7: {  	(tag) =	ssettag $0x2  }
0xb8: {  	s0 =	rddreg [dreg:$0x0];
	s2 =	stileid.u32  }
0xb9: {  	s1 =	rddreg [dreg:$0x1];
	p0 =	sne.s32 s2, $0x0  }
0xba: {  	s3 =	rddreg [dreg:$0x2];
	[bflag:$0x3] =	sbarrier.arrive $0xFFFF;
	s2 =	simm.s32 @!p0 $0x1C0A  }
0xbb: {  	[timem:s3], [sflag:s2] =	dma.local @!p0 [hbm:s0], s1  }
0xbc: {  	s0 =	simm.s32 @!p0 $0xA  }
0xbd: {  	_ =	swait.ge @!p0 [sflag:s0], s1  }
0xbe: {  	s1 =	ssub.s32 @!p0 $0x0, s1;
	[sflag:s0] =	ssyncset.done @!p0 $0x0  }
0xbf: {  	[sflag:s0] =	ssyncadd.s32 @!p0 s1  }
0xc0: {  	[bflag:$0x3] =	sbarrier.arrive $0xFFFF  }
0xc1: {  	_ =	shalt  }

</sc_bundles>
